<compile_context>
chip_gen: v7x
topology: tpu7x:2x2x1
jax: 0.10.2.dev20260603
libtpu: 0.0.44.dev20260713+nightly
codegen_flags: <defaults>
</compile_context>

<pallas_src>
import jax
import jax.numpy as jnp
from jax import lax
from jax.experimental import pallas as pl
from jax.experimental.pallas import tpu as pltpu, tpu_sc as plsc

D_MODEL = 768
D_FF = 1024
N_EXP = 16
T = 2048
TM = 192
NC = 2
NS = 16
NW = NC * NS
BPW = T // NW
CH = 16
NCHUNK = BPW // CH


RB = 128
NBLK = T // RB


def _route_body(x_ref, wg_ref, bg_ref, pos_ref, offs_ref, oh_ref, pref_ref):
    x = x_ref[...]
    logits = lax.dot_general(x, wg_ref[...], (((1,), (1,)), ((), ())),
                             preferred_element_type=jnp.float32)
    logits = logits + bg_ref[...]
    iota_e = lax.broadcasted_iota(jnp.int32, (T, N_EXP), 1).astype(jnp.float32)
    m = jnp.max(logits, axis=1, keepdims=True)
    eidf = jnp.min(jnp.where(logits == m, iota_e, float(N_EXP)), axis=1,
                   keepdims=True)
    onehot = (iota_e == eidf).astype(jnp.float32)
    oh_ref[...] = onehot
    bc = jnp.sum(onehot.reshape(NBLK, RB, N_EXP), axis=1)
    tri_b = (lax.broadcasted_iota(jnp.int32, (NBLK, NBLK), 1)
             < lax.broadcasted_iota(jnp.int32, (NBLK, NBLK), 0))
    pref = lax.dot_general(tri_b.astype(jnp.float32), bc,
                           (((1,), (0,)), ((), ())),
                           preferred_element_type=jnp.float32)
    pref_ref[...] = pref
    counts = jnp.sum(bc, axis=0, keepdims=True)
    tri_e = (lax.broadcasted_iota(jnp.int32, (N_EXP, N_EXP), 0)
             < lax.broadcasted_iota(jnp.int32, (N_EXP, N_EXP), 1))
    offs = lax.dot_general(counts, tri_e.astype(jnp.float32),
                           (((1,), (0,)), ((), ())),
                           preferred_element_type=jnp.float32)
    offs_ref[...] = offs.astype(jnp.int32)

    a = (lax.broadcasted_iota(jnp.int32, (RB, RB), 1)
         < lax.broadcasted_iota(jnp.int32, (RB, RB), 0)).astype(jnp.float32)

    def blk(b, _):
        oh = oh_ref[pl.ds(b * RB, RB), :]
        rank = lax.dot_general(a, oh, (((1,), (0,)), ((), ())),
                               preferred_element_type=jnp.float32)
        rank = rank + pref_ref[pl.ds(b, 1), :]
        posf = jnp.sum(oh * (offs + rank), axis=1)
        pos_ref[pl.ds(b, 1), :] = posf.astype(jnp.int32).reshape(1, RB)
        return 0

    lax.fori_loop(0, NBLK, blk, 0)


def _route(x2d, wg, bg2):
    return pl.pallas_call(
        _route_body,
        out_shape=(
            jax.ShapeDtypeStruct((NBLK, RB), jnp.int32),
            jax.ShapeDtypeStruct((1, N_EXP), jnp.int32),
        ),
        scratch_shapes=[pltpu.VMEM((T, N_EXP), jnp.float32),
                        pltpu.VMEM((NBLK, N_EXP), jnp.float32)],
    )(x2d, wg, bg2)


def _mlp_body(offs_ref, xs_ref, w1_ref, b1_ref, w2_ref, b2_ref, out_ref):
    e = pl.program_id(0)
    start = offs_ref[0, e]
    end = jnp.where(e == N_EXP - 1, T,
                    offs_ref[0, jnp.minimum(e + 1, N_EXP - 1)])
    base0 = (start // 8) * 8
    ntiles = (end - base0 + TM - 1) // TM

    def tile(i, _):
        base = jnp.minimum(base0 + i * TM, T - TM)
        xt = xs_ref[pl.ds(base, TM), :].astype(jnp.bfloat16)
        w1 = w1_ref[0].astype(jnp.bfloat16)
        h = lax.dot_general(xt, w1, (((1,), (1,)), ((), ())),
                            preferred_element_type=jnp.float32)
        h = jnp.maximum(h + b1_ref[0], 0.0).astype(jnp.bfloat16)
        w2 = w2_ref[0].astype(jnp.bfloat16)
        eo = lax.dot_general(h, w2, (((1,), (1,)), ((), ())),
                             preferred_element_type=jnp.float32)
        eo = eo + b2_ref[0]
        rowid = base + lax.broadcasted_iota(jnp.int32, (TM, 1), 0)
        old = out_ref[pl.ds(base, TM), :]
        out_ref[pl.ds(base, TM), :] = jnp.where(rowid >= start, eo, old)
        return 0

    lax.fori_loop(0, ntiles, tile, 0)


def _mlp(offs, xs, w1, b1r, w2, b2r):
    grid_spec = pltpu.PrefetchScalarGridSpec(
        num_scalar_prefetch=1,
        grid=(N_EXP,),
        in_specs=[
            pl.BlockSpec((T, D_MODEL), lambda e, offs: (0, 0)),
            pl.BlockSpec((1, D_FF, D_MODEL), lambda e, offs: (e, 0, 0)),
            pl.BlockSpec((1, 1, D_FF), lambda e, offs: (e, 0, 0)),
            pl.BlockSpec((1, D_MODEL, D_FF), lambda e, offs: (e, 0, 0)),
            pl.BlockSpec((1, 1, D_MODEL), lambda e, offs: (e, 0, 0)),
        ],
        out_specs=pl.BlockSpec((T, D_MODEL), lambda e, offs: (0, 0)),
    )
    return pl.pallas_call(
        _mlp_body,
        grid_spec=grid_spec,
        out_shape=jax.ShapeDtypeStruct((T, D_MODEL), jnp.float32),
        compiler_params=pltpu.CompilerParams(
            dimension_semantics=("arbitrary",)),
    )(offs, xs, w1, b1r, w2, b2r)


def _sc_scatter(x2d, pos):
    mesh = plsc.VectorSubcoreMesh(core_axis_name="c", subcore_axis_name="s")

    @pl.kernel(
        out_type=jax.ShapeDtypeStruct((T, D_MODEL), jnp.float32),
        mesh=mesh,
        scratch_types=[
            pltpu.VMEM((BPW,), jnp.int32),
            pltpu.VMEM((BPW, D_MODEL), jnp.float32),
            pltpu.SemaphoreType.DMA,
            pltpu.SemaphoreType.DMA,
        ],
    )
    def k(x_hbm, pos_hbm, out_hbm, idx_v, rows_v, sem_ld, sem_st):
        wid = lax.axis_index("s") * NC + lax.axis_index("c")
        base = wid * BPW
        pltpu.sync_copy(pos_hbm.at[pl.ds(base, BPW)], idx_v)
        loads = [
            pltpu.async_copy(x_hbm.at[pl.ds(base + j * CH, CH)],
                             rows_v.at[pl.ds(j * CH, CH)], sem_ld)
            for j in range(NCHUNK)
        ]
        stores = []
        for j in range(NCHUNK):
            loads[j].wait()
            iv = idx_v[pl.ds(j * CH, CH)]
            stores.append(
                pltpu.async_copy(rows_v.at[pl.ds(j * CH, CH)],
                                 out_hbm.at[iv], sem_st))
        for s in stores:
            s.wait()

    return k(x2d, pos)


def _sc_gather(y, pos):
    mesh = plsc.VectorSubcoreMesh(core_axis_name="c", subcore_axis_name="s")

    @pl.kernel(
        out_type=jax.ShapeDtypeStruct((T, D_MODEL), jnp.float32),
        mesh=mesh,
        scratch_types=[
            pltpu.VMEM((BPW,), jnp.int32),
            pltpu.VMEM((BPW, D_MODEL), jnp.float32),
            pltpu.SemaphoreType.DMA,
            pltpu.SemaphoreType.DMA,
        ],
    )
    def k(y_hbm, pos_hbm, out_hbm, idx_v, rows_v, sem_ld, sem_st):
        wid = lax.axis_index("s") * NC + lax.axis_index("c")
        base = wid * BPW
        pltpu.sync_copy(pos_hbm.at[pl.ds(base, BPW)], idx_v)
        gathers = []
        for j in range(NCHUNK):
            iv = idx_v[pl.ds(j * CH, CH)]
            gathers.append(
                pltpu.async_copy(y_hbm.at[iv],
                                 rows_v.at[pl.ds(j * CH, CH)], sem_ld))
        stores = []
        for j in range(NCHUNK):
            gathers[j].wait()
            stores.append(
                pltpu.async_copy(rows_v.at[pl.ds(j * CH, CH)],
                                 out_hbm.at[pl.ds(base + j * CH, CH)], sem_st))
        for s in stores:
            s.wait()

    return k(y, pos)


def kernel(x, Wg, bg, W1, b1, W2, b2):
    B, S, D = x.shape
    x2d = x.reshape(T, D_MODEL)
    pos2d, offs = _route(x2d, Wg, bg.reshape(1, N_EXP))
    pos = pos2d.reshape(T)
    xs = _sc_scatter(x2d, pos)
    y = _mlp(offs, xs, W1, b1.reshape(N_EXP, 1, D_FF),
             W2, b2.reshape(N_EXP, 1, D_MODEL))
    out = _sc_gather(y, pos)
    return out.reshape(B, S, D)

# --- scband reference (transcript-rebuilt; emitter-appended) ---
"""Pipeline reference for scband-mo-elayer-76244259439331 (READ-ONLY COPY).

The authoritative reference and input builder live on the scoring server;
editing this copy changes nothing except your own understanding.
"""

import jax, jax.numpy as jnp
import numpy as np

D_MODEL = 768
D_FF = 1024
NUM_EXPERTS = 16
TOP_K = 1

def setup_inputs(seed: int = 0):
    key = jax.random.key(seed)
    ks = jax.random.split(key, 4)
    x = jax.random.normal(ks[0], (1, 2048, D_MODEL), dtype=jnp.float32)
    Wg = jax.random.normal(ks[1], (NUM_EXPERTS, D_MODEL), dtype=jnp.float32) * 0.02
    bg = jnp.zeros((NUM_EXPERTS,), dtype=jnp.float32)
    W1 = jax.random.normal(ks[2], (NUM_EXPERTS, D_FF, D_MODEL), dtype=jnp.float32) * 0.02
    b1 = jnp.zeros((NUM_EXPERTS, D_FF), dtype=jnp.float32)
    W2 = jax.random.normal(ks[3], (NUM_EXPERTS, D_MODEL, D_FF), dtype=jnp.float32) * 0.02
    b2 = jnp.zeros((NUM_EXPERTS, D_MODEL), dtype=jnp.float32)
    return {"x": x, "Wg": Wg, "bg": bg, "W1": W1, "b1": b1, "W2": W2, "b2": b2}

def reference(x, Wg, bg, W1, b1, W2, b2):
    # MoEGate: linear gate -> top_k -> softmax over top_k logits
    B, S, D = x.shape
    x_flat = x.reshape(-1, D)
    gate_logits = x_flat @ Wg.T + bg                      # [T, E]
    top_logits, top_idx = jax.lax.top_k(gate_logits, TOP_K)  # [T, K]
    gate_w = jax.nn.softmax(top_logits, axis=-1)          # [T, K]
    # MoELayer: output[t] = sum over selected experts of weight * expert(x[t]).
    # Dense-equivalent formulation: combine[t, i] = sum_k gate_w[t, k] * (top_idx[t, k] == i)
    out = jnp.zeros_like(x_flat)
    for i in range(NUM_EXPERTS):
        combine = jnp.sum(gate_w * (top_idx == i).astype(gate_w.dtype), axis=-1)  # [T]
        h = jax.nn.relu(x_flat @ W1[i].T + b1[i])
        eo = h @ W2[i].T + b2[i]
        out = out + combine[:, None] * eo
    return out.reshape(B, S, D)

if __name__ == "__main__":
    import jax
    _d = setup_inputs()
    print(jax.jit(kernel)(*tuple(_d.values())))

</pallas_src>

<mosaic_0001>
#map = affine_map<(d0, d1) -> (0, 0)>
#map1 = affine_map<(d0, d1) -> (0)>
module attributes {stable_mosaic.version = 14 : i64} {
  func.func @k(%arg0: i32, %arg1: i32, %arg2: memref<2048x768xf32, #tpu.memory_space<hbm>>, %arg3: memref<2048xi32, #tpu.memory_space<hbm>>, %arg4: memref<2048x768xf32, #tpu.memory_space<hbm>>, %arg5: memref<64xi32, #tpu.memory_space<vmem>>, %arg6: memref<64x768xf32, #tpu.memory_space<vmem>>, %arg7: memref<!tpu.dma_semaphore, #tpu.memory_space<semaphore_mem>>, %arg8: memref<!tpu.dma_semaphore, #tpu.memory_space<semaphore_mem>>) attributes {dimension_semantics = [#tpu.dimension_semantics<core_parallel>, #tpu.dimension_semantics<subcore_parallel>], iteration_bounds = array<i64: 2, 16>, scalar_prefetch = 0 : i64, scratch_operands = 4 : i64, tpu.core_type = #tpu.core_type<sc_vector_subcore>, window_params = [{transform_indices = #map}, {transform_indices = #map1}, {transform_indices = #map}]} {
    %mul3A = arith.constant 2 : i32
    %mul3A_0 = arith.muli %arg1, %mul3A : i32
    %add3A = arith.addi %mul3A_0, %arg0 : i32
    %mul3A_1 = arith.constant 64 : i32
    %mul3A_2 = arith.muli %add3A, %mul3A_1 : i32
    "tpu.region"() ({
      %run_scoped3A = tpu.sem_alloc : memref<!tpu.dma_semaphore, #tpu.memory_space<semaphore_mem>>
      %dma_start3A_148 = tpu.memref_slice %arg3[%mul3A_2] : memref<2048xi32, #tpu.memory_space<hbm>> -> memref<64xi32, #tpu.memory_space<hbm>>
      %dma_start3A_149 = tpu.memref_slice %arg3[%mul3A_2] : memref<2048xi32, #tpu.memory_space<hbm>> -> memref<64xi32, #tpu.memory_space<hbm>>
      tpu.enqueue_dma source(%dma_start3A_149 : memref<64xi32, #tpu.memory_space<hbm>>) target(%arg5 : memref<64xi32, #tpu.memory_space<vmem>>) target_semaphore(%run_scoped3A : memref<!tpu.dma_semaphore, #tpu.memory_space<semaphore_mem>>)
      %dma_wait3A_150 = tpu.memref_slice %arg3[%mul3A_2] : memref<2048xi32, #tpu.memory_space<hbm>> -> memref<64xi32, #tpu.memory_space<hbm>>
      %dma_wait3A_151 = tpu.memref_slice %arg3[%mul3A_2] : memref<2048xi32, #tpu.memory_space<hbm>> -> memref<64xi32, #tpu.memory_space<hbm>>
      tpu.wait_dma2 semaphore(%run_scoped3A : memref<!tpu.dma_semaphore, #tpu.memory_space<semaphore_mem>>) src(%dma_wait3A_151 : memref<64xi32, #tpu.memory_space<hbm>>) dst(%arg5 : memref<64xi32, #tpu.memory_space<vmem>>)
      tpu.yield
    }) : () -> ()
    %get3A = arith.constant 0 : index
    %get3A_3 = tpu.vector_load %arg5[%get3A] {strides = array<i32>} : memref<64xi32, #tpu.memory_space<vmem>>, vector<16xi32>,
    %get3A_4 = vector.shape_cast %get3A_3 : vector<16xi32> to vector<16xi32>
    %dma_start3A = arith.constant 0 : i32
    %dma_start3A_5 = arith.constant 0 : i32
    %dma_start3A_6 = tpu.memref_slice %arg6[%dma_start3A, %dma_start3A_5] : memref<64x768xf32, #tpu.memory_space<vmem>> -> memref<16x768xf32, #tpu.memory_space<vmem>>
    %dma_start3A_7 = arith.constant 0 : i32
    %dma_start3A_8 = arith.constant 0 : i32
    %dma_start3A_9 = tpu.memref_slice %arg2[%dma_start3A_7, %dma_start3A_8] : memref<2048x768xf32, #tpu.memory_space<hbm>> -> memref<2048x768xf32, #tpu.memory_space<hbm>>
    tpu.enqueue_indirect_dma source(%dma_start3A_9 : memref<2048x768xf32, #tpu.memory_space<hbm>>) target(%dma_start3A_6 : memref<16x768xf32, #tpu.memory_space<vmem>>) offsets(%get3A_4 : vector<16xi32>) semaphore(%arg7 : memref<!tpu.dma_semaphore, #tpu.memory_space<semaphore_mem>>)
    %get3A_10 = arith.constant 16 : index
    %get3A_11 = tpu.vector_load %arg5[%get3A_10] {strides = array<i32>} : memref<64xi32, #tpu.memory_space<vmem>>, vector<16xi32>,
    %get3A_12 = vector.shape_cast %get3A_11 : vector<16xi32> to vector<16xi32>
    %dma_start3A_13 = arith.constant 16 : i32
    %dma_start3A_14 = arith.constant 0 : i32
    %dma_start3A_15 = tpu.memref_slice %arg6[%dma_start3A_13, %dma_start3A_14] : memref<64x768xf32, #tpu.memory_space<vmem>> -> memref<16x768xf32, #tpu.memory_space<vmem>>
    %dma_start3A_16 = arith.constant 0 : i32
    %dma_start3A_17 = arith.constant 0 : i32
    %dma_start3A_18 = tpu.memref_slice %arg2[%dma_start3A_16, %dma_start3A_17] : memref<2048x768xf32, #tpu.memory_space<hbm>> -> memref<2048x768xf32, #tpu.memory_space<hbm>>
    tpu.enqueue_indirect_dma source(%dma_start3A_18 : memref<2048x768xf32, #tpu.memory_space<hbm>>) target(%dma_start3A_15 : memref<16x768xf32, #tpu.memory_space<vmem>>) offsets(%get3A_12 : vector<16xi32>) semaphore(%arg7 : memref<!tpu.dma_semaphore, #tpu.memory_space<semaphore_mem>>)
    %get3A_19 = arith.constant 32 : index
    %get3A_20 = tpu.vector_load %arg5[%get3A_19] {strides = array<i32>} : memref<64xi32, #tpu.memory_space<vmem>>, vector<16xi32>,
    %get3A_21 = vector.shape_cast %get3A_20 : vector<16xi32> to vector<16xi32>
    %dma_start3A_22 = arith.constant 32 : i32
    %dma_start3A_23 = arith.constant 0 : i32
    %dma_start3A_24 = tpu.memref_slice %arg6[%dma_start3A_22, %dma_start3A_23] : memref<64x768xf32, #tpu.memory_space<vmem>> -> memref<16x768xf32, #tpu.memory_space<vmem>>
    %dma_start3A_25 = arith.constant 0 : i32
    %dma_start3A_26 = arith.constant 0 : i32
    %dma_start3A_27 = tpu.memref_slice %arg2[%dma_start3A_25, %dma_start3A_26] : memref<2048x768xf32, #tpu.memory_space<hbm>> -> memref<2048x768xf32, #tpu.memory_space<hbm>>
    tpu.enqueue_indirect_dma source(%dma_start3A_27 : memref<2048x768xf32, #tpu.memory_space<hbm>>) target(%dma_start3A_24 : memref<16x768xf32, #tpu.memory_space<vmem>>) offsets(%get3A_21 : vector<16xi32>) semaphore(%arg7 : memref<!tpu.dma_semaphore, #tpu.memory_space<semaphore_mem>>)
    %get3A_28 = arith.constant 48 : index
    %get3A_29 = tpu.vector_load %arg5[%get3A_28] {strides = array<i32>} : memref<64xi32, #tpu.memory_space<vmem>>, vector<16xi32>,
    %get3A_30 = vector.shape_cast %get3A_29 : vector<16xi32> to vector<16xi32>
    %dma_start3A_31 = arith.constant 48 : i32
    %dma_start3A_32 = arith.constant 0 : i32
    %dma_start3A_33 = tpu.memref_slice %arg6[%dma_start3A_31, %dma_start3A_32] : memref<64x768xf32, #tpu.memory_space<vmem>> -> memref<16x768xf32, #tpu.memory_space<vmem>>
    %dma_start3A_34 = arith.constant 0 : i32
    %dma_start3A_35 = arith.constant 0 : i32
    %dma_start3A_36 = tpu.memref_slice %arg2[%dma_start3A_34, %dma_start3A_35] : memref<2048x768xf32, #tpu.memory_space<hbm>> -> memref<2048x768xf32, #tpu.memory_space<hbm>>
    tpu.enqueue_indirect_dma source(%dma_start3A_36 : memref<2048x768xf32, #tpu.memory_space<hbm>>) target(%dma_start3A_33 : memref<16x768xf32, #tpu.memory_space<vmem>>) offsets(%get3A_30 : vector<16xi32>) semaphore(%arg7 : memref<!tpu.dma_semaphore, #tpu.memory_space<semaphore_mem>>)
    %dma_wait3A = arith.constant 0 : i32
    %dma_wait3A_37 = arith.constant 0 : i32
    %dma_wait3A_38 = tpu.memref_slice %arg6[%dma_wait3A, %dma_wait3A_37] : memref<64x768xf32, #tpu.memory_space<vmem>> -> memref<16x768xf32, #tpu.memory_space<vmem>>
    %dma_wait3A_39 = arith.constant 0 : i32
    %dma_wait3A_40 = arith.constant 0 : i32
    %dma_wait3A_41 = tpu.memref_slice %arg2[%dma_wait3A_39, %dma_wait3A_40] : memref<2048x768xf32, #tpu.memory_space<hbm>> -> memref<2048x768xf32, #tpu.memory_space<hbm>>
    tpu.wait_indirect_dma semaphore(%arg7 : memref<!tpu.dma_semaphore, #tpu.memory_space<semaphore_mem>>) src(%dma_wait3A_41 : memref<2048x768xf32, #tpu.memory_space<hbm>>) dst(%dma_wait3A_38 : memref<16x768xf32, #tpu.memory_space<vmem>>)
    %add3A_42 = arith.constant 0 : i32
    %add3A_43 = arith.addi %mul3A_2, %add3A_42 : i32
    %dma_start3A_44 = arith.constant 0 : i32
    %dma_start3A_45 = arith.constant 0 : i32
    %dma_start3A_46 = tpu.memref_slice %arg6[%dma_start3A_44, %dma_start3A_45] : memref<64x768xf32, #tpu.memory_space<vmem>> -> memref<16x768xf32, #tpu.memory_space<vmem>>
    %dma_start3A_47 = arith.constant 0 : i32
    %dma_start3A_48 = tpu.memref_slice %arg4[%add3A_43, %dma_start3A_47] : memref<2048x768xf32, #tpu.memory_space<hbm>> -> memref<16x768xf32, #tpu.memory_space<hbm>>
    %dma_start3A_49 = arith.constant 0 : i32
    %dma_start3A_50 = tpu.memref_slice %arg4[%add3A_43, %dma_start3A_49] : memref<2048x768xf32, #tpu.memory_space<hbm>> -> memref<16x768xf32, #tpu.memory_space<hbm>>
    %dma_start3A_51 = arith.constant 0 : i32
    %dma_start3A_52 = arith.constant 0 : i32
    %dma_start3A_53 = tpu.memref_slice %arg6[%dma_start3A_51, %dma_start3A_52] : memref<64x768xf32, #tpu.memory_space<vmem>> -> memref<16x768xf32, #tpu.memory_space<vmem>>
    tpu.enqueue_dma source(%dma_start3A_53 : memref<16x768xf32, #tpu.memory_space<vmem>>) target(%dma_start3A_50 : memref<16x768xf32, #tpu.memory_space<hbm>>) target_semaphore(%arg8 : memref<!tpu.dma_semaphore, #tpu.memory_space<semaphore_mem>>)
    %dma_wait3A_54 = arith.constant 16 : i32
    %dma_wait3A_55 = arith.constant 0 : i32
    %dma_wait3A_56 = tpu.memref_slice %arg6[%dma_wait3A_54, %dma_wait3A_55] : memref<64x768xf32, #tpu.memory_space<vmem>> -> memref<16x768xf32, #tpu.memory_space<vmem>>
    %dma_wait3A_57 = arith.constant 0 : i32
    %dma_wait3A_58 = arith.constant 0 : i32
    %dma_wait3A_59 = tpu.memref_slice %arg2[%dma_wait3A_57, %dma_wait3A_58] : memref<2048x768xf32, #tpu.memory_space<hbm>> -> memref<2048x768xf32, #tpu.memory_space<hbm>>
    tpu.wait_indirect_dma semaphore(%arg7 : memref<!tpu.dma_semaphore, #tpu.memory_space<semaphore_mem>>) src(%dma_wait3A_59 : memref<2048x768xf32, #tpu.memory_space<hbm>>) dst(%dma_wait3A_56 : memref<16x768xf32, #tpu.memory_space<vmem>>)
    %add3A_60 = arith.constant 16 : i32
    %add3A_61 = arith.addi %mul3A_2, %add3A_60 : i32
    %dma_start3A_62 = arith.constant 16 : i32
    %dma_start3A_63 = arith.constant 0 : i32
    %dma_start3A_64 = tpu.memref_slice %arg6[%dma_start3A_62, %dma_start3A_63] : memref<64x768xf32, #tpu.memory_space<vmem>> -> memref<16x768xf32, #tpu.memory_space<vmem>>
    %dma_start3A_65 = arith.constant 0 : i32
    %dma_start3A_66 = tpu.memref_slice %arg4[%add3A_61, %dma_start3A_65] : memref<2048x768xf32, #tpu.memory_space<hbm>> -> memref<16x768xf32, #tpu.memory_space<hbm>>
    %dma_start3A_67 = arith.constant 0 : i32
    %dma_start3A_68 = tpu.memref_slice %arg4[%add3A_61, %dma_start3A_67] : memref<2048x768xf32, #tpu.memory_space<hbm>> -> memref<16x768xf32, #tpu.memory_space<hbm>>
    %dma_start3A_69 = arith.constant 16 : i32
    %dma_start3A_70 = arith.constant 0 : i32
    %dma_start3A_71 = tpu.memref_slice %arg6[%dma_start3A_69, %dma_start3A_70] : memref<64x768xf32, #tpu.memory_space<vmem>> -> memref<16x768xf32, #tpu.memory_space<vmem>>
    tpu.enqueue_dma source(%dma_start3A_71 : memref<16x768xf32, #tpu.memory_space<vmem>>) target(%dma_start3A_68 : memref<16x768xf32, #tpu.memory_space<hbm>>) target_semaphore(%arg8 : memref<!tpu.dma_semaphore, #tpu.memory_space<semaphore_mem>>)
    %dma_wait3A_72 = arith.constant 32 : i32
    %dma_wait3A_73 = arith.constant 0 : i32
    %dma_wait3A_74 = tpu.memref_slice %arg6[%dma_wait3A_72, %dma_wait3A_73] : memref<64x768xf32, #tpu.memory_space<vmem>> -> memref<16x768xf32, #tpu.memory_space<vmem>>
    %dma_wait3A_75 = arith.constant 0 : i32
    %dma_wait3A_76 = arith.constant 0 : i32
    %dma_wait3A_77 = tpu.memref_slice %arg2[%dma_wait3A_75, %dma_wait3A_76] : memref<2048x768xf32, #tpu.memory_space<hbm>> -> memref<2048x768xf32, #tpu.memory_space<hbm>>
    tpu.wait_indirect_dma semaphore(%arg7 : memref<!tpu.dma_semaphore, #tpu.memory_space<semaphore_mem>>) src(%dma_wait3A_77 : memref<2048x768xf32, #tpu.memory_space<hbm>>) dst(%dma_wait3A_74 : memref<16x768xf32, #tpu.memory_space<vmem>>)
    %add3A_78 = arith.constant 32 : i32
    %add3A_79 = arith.addi %mul3A_2, %add3A_78 : i32
    %dma_start3A_80 = arith.constant 32 : i32
    %dma_start3A_81 = arith.constant 0 : i32
    %dma_start3A_82 = tpu.memref_slice %arg6[%dma_start3A_80, %dma_start3A_81] : memref<64x768xf32, #tpu.memory_space<vmem>> -> memref<16x768xf32, #tpu.memory_space<vmem>>
    %dma_start3A_83 = arith.constant 0 : i32
    %dma_start3A_84 = tpu.memref_slice %arg4[%add3A_79, %dma_start3A_83] : memref<2048x768xf32, #tpu.memory_space<hbm>> -> memref<16x768xf32, #tpu.memory_space<hbm>>
    %dma_start3A_85 = arith.constant 0 : i32
    %dma_start3A_86 = tpu.memref_slice %arg4[%add3A_79, %dma_start3A_85] : memref<2048x768xf32, #tpu.memory_space<hbm>> -> memref<16x768xf32, #tpu.memory_space<hbm>>
    %dma_start3A_87 = arith.constant 32 : i32
    %dma_start3A_88 = arith.constant 0 : i32
    %dma_start3A_89 = tpu.memref_slice %arg6[%dma_start3A_87, %dma_start3A_88] : memref<64x768xf32, #tpu.memory_space<vmem>> -> memref<16x768xf32, #tpu.memory_space<vmem>>
    tpu.enqueue_dma source(%dma_start3A_89 : memref<16x768xf32, #tpu.memory_space<vmem>>) target(%dma_start3A_86 : memref<16x768xf32, #tpu.memory_space<hbm>>) target_semaphore(%arg8 : memref<!tpu.dma_semaphore, #tpu.memory_space<semaphore_mem>>)
    %dma_wait3A_90 = arith.constant 48 : i32
    %dma_wait3A_91 = arith.constant 0 : i32
    %dma_wait3A_92 = tpu.memref_slice %arg6[%dma_wait3A_90, %dma_wait3A_91] : memref<64x768xf32, #tpu.memory_space<vmem>> -> memref<16x768xf32, #tpu.memory_space<vmem>>
    %dma_wait3A_93 = arith.constant 0 : i32
    %dma_wait3A_94 = arith.constant 0 : i32
    %dma_wait3A_95 = tpu.memref_slice %arg2[%dma_wait3A_93, %dma_wait3A_94] : memref<2048x768xf32, #tpu.memory_space<hbm>> -> memref<2048x768xf32, #tpu.memory_space<hbm>>
    tpu.wait_indirect_dma semaphore(%arg7 : memref<!tpu.dma_semaphore, #tpu.memory_space<semaphore_mem>>) src(%dma_wait3A_95 : memref<2048x768xf32, #tpu.memory_space<hbm>>) dst(%dma_wait3A_92 : memref<16x768xf32, #tpu.memory_space<vmem>>)
    %add3A_96 = arith.constant 48 : i32
    %add3A_97 = arith.addi %mul3A_2, %add3A_96 : i32
    %dma_start3A_98 = arith.constant 48 : i32
    %dma_start3A_99 = arith.constant 0 : i32
    %dma_start3A_100 = tpu.memref_slice %arg6[%dma_start3A_98, %dma_start3A_99] : memref<64x768xf32, #tpu.memory_space<vmem>> -> memref<16x768xf32, #tpu.memory_space<vmem>>
    %dma_start3A_101 = arith.constant 0 : i32
    %dma_start3A_102 = tpu.memref_slice %arg4[%add3A_97, %dma_start3A_101] : memref<2048x768xf32, #tpu.memory_space<hbm>> -> memref<16x768xf32, #tpu.memory_space<hbm>>
    %dma_start3A_103 = arith.constant 0 : i32
    %dma_start3A_104 = tpu.memref_slice %arg4[%add3A_97, %dma_start3A_103] : memref<2048x768xf32, #tpu.memory_space<hbm>> -> memref<16x768xf32, #tpu.memory_space<hbm>>
    %dma_start3A_105 = arith.constant 48 : i32
    %dma_start3A_106 = arith.constant 0 : i32
    %dma_start3A_107 = tpu.memref_slice %arg6[%dma_start3A_105, %dma_start3A_106] : memref<64x768xf32, #tpu.memory_space<vmem>> -> memref<16x768xf32, #tpu.memory_space<vmem>>
    tpu.enqueue_dma source(%dma_start3A_107 : memref<16x768xf32, #tpu.memory_space<vmem>>) target(%dma_start3A_104 : memref<16x768xf32, #tpu.memory_space<hbm>>) target_semaphore(%arg8 : memref<!tpu.dma_semaphore, #tpu.memory_space<semaphore_mem>>)
    %dma_wait3A_108 = arith.constant 0 : i32
    %dma_wait3A_109 = arith.constant 0 : i32
    %dma_wait3A_110 = tpu.memref_slice %arg6[%dma_wait3A_108, %dma_wait3A_109] : memref<64x768xf32, #tpu.memory_space<vmem>> -> memref<16x768xf32, #tpu.memory_space<vmem>>
    %dma_wait3A_111 = arith.constant 0 : i32
    %dma_wait3A_112 = tpu.memref_slice %arg4[%add3A_43, %dma_wait3A_111] : memref<2048x768xf32, #tpu.memory_space<hbm>> -> memref<16x768xf32, #tpu.memory_space<hbm>>
    %dma_wait3A_113 = arith.constant 0 : i32
    %dma_wait3A_114 = tpu.memref_slice %arg4[%add3A_43, %dma_wait3A_113] : memref<2048x768xf32, #tpu.memory_space<hbm>> -> memref<16x768xf32, #tpu.memory_space<hbm>>
    %dma_wait3A_115 = arith.constant 0 : i32
    %dma_wait3A_116 = arith.constant 0 : i32
    %dma_wait3A_117 = tpu.memref_slice %arg6[%dma_wait3A_115, %dma_wait3A_116] : memref<64x768xf32, #tpu.memory_space<vmem>> -> memref<16x768xf32, #tpu.memory_space<vmem>>
    tpu.wait_dma2 semaphore(%arg8 : memref<!tpu.dma_semaphore, #tpu.memory_space<semaphore_mem>>) src(%dma_wait3A_117 : memref<16x768xf32, #tpu.memory_space<vmem>>) dst(%dma_wait3A_114 : memref<16x768xf32, #tpu.memory_space<hbm>>)
    %dma_wait3A_118 = arith.constant 16 : i32
    %dma_wait3A_119 = arith.constant 0 : i32
    %dma_wait3A_120 = tpu.memref_slice %arg6[%dma_wait3A_118, %dma_wait3A_119] : memref<64x768xf32, #tpu.memory_space<vmem>> -> memref<16x768xf32, #tpu.memory_space<vmem>>
    %dma_wait3A_121 = arith.constant 0 : i32
    %dma_wait3A_122 = tpu.memref_slice %arg4[%add3A_61, %dma_wait3A_121] : memref<2048x768xf32, #tpu.memory_space<hbm>> -> memref<16x768xf32, #tpu.memory_space<hbm>>
    %dma_wait3A_123 = arith.constant 0 : i32
    %dma_wait3A_124 = tpu.memref_slice %arg4[%add3A_61, %dma_wait3A_123] : memref<2048x768xf32, #tpu.memory_space<hbm>> -> memref<16x768xf32, #tpu.memory_space<hbm>>
    %dma_wait3A_125 = arith.constant 16 : i32
    %dma_wait3A_126 = arith.constant 0 : i32
    %dma_wait3A_127 = tpu.memref_slice %arg6[%dma_wait3A_125, %dma_wait3A_126] : memref<64x768xf32, #tpu.memory_space<vmem>> -> memref<16x768xf32, #tpu.memory_space<vmem>>
    tpu.wait_dma2 semaphore(%arg8 : memref<!tpu.dma_semaphore, #tpu.memory_space<semaphore_mem>>) src(%dma_wait3A_127 : memref<16x768xf32, #tpu.memory_space<vmem>>) dst(%dma_wait3A_124 : memref<16x768xf32, #tpu.memory_space<hbm>>)
    %dma_wait3A_128 = arith.constant 32 : i32
    %dma_wait3A_129 = arith.constant 0 : i32
    %dma_wait3A_130 = tpu.memref_slice %arg6[%dma_wait3A_128, %dma_wait3A_129] : memref<64x768xf32, #tpu.memory_space<vmem>> -> memref<16x768xf32, #tpu.memory_space<vmem>>
    %dma_wait3A_131 = arith.constant 0 : i32
    %dma_wait3A_132 = tpu.memref_slice %arg4[%add3A_79, %dma_wait3A_131] : memref<2048x768xf32, #tpu.memory_space<hbm>> -> memref<16x768xf32, #tpu.memory_space<hbm>>
    %dma_wait3A_133 = arith.constant 0 : i32
    %dma_wait3A_134 = tpu.memref_slice %arg4[%add3A_79, %dma_wait3A_133] : memref<2048x768xf32, #tpu.memory_space<hbm>> -> memref<16x768xf32, #tpu.memory_space<hbm>>
    %dma_wait3A_135 = arith.constant 32 : i32
    %dma_wait3A_136 = arith.constant 0 : i32
    %dma_wait3A_137 = tpu.memref_slice %arg6[%dma_wait3A_135, %dma_wait3A_136] : memref<64x768xf32, #tpu.memory_space<vmem>> -> memref<16x768xf32, #tpu.memory_space<vmem>>
    tpu.wait_dma2 semaphore(%arg8 : memref<!tpu.dma_semaphore, #tpu.memory_space<semaphore_mem>>) src(%dma_wait3A_137 : memref<16x768xf32, #tpu.memory_space<vmem>>) dst(%dma_wait3A_134 : memref<16x768xf32, #tpu.memory_space<hbm>>)
    %dma_wait3A_138 = arith.constant 48 : i32
    %dma_wait3A_139 = arith.constant 0 : i32
    %dma_wait3A_140 = tpu.memref_slice %arg6[%dma_wait3A_138, %dma_wait3A_139] : memref<64x768xf32, #tpu.memory_space<vmem>> -> memref<16x768xf32, #tpu.memory_space<vmem>>
    %dma_wait3A_141 = arith.constant 0 : i32
    %dma_wait3A_142 = tpu.memref_slice %arg4[%add3A_97, %dma_wait3A_141] : memref<2048x768xf32, #tpu.memory_space<hbm>> -> memref<16x768xf32, #tpu.memory_space<hbm>>
    %dma_wait3A_143 = arith.constant 0 : i32
    %dma_wait3A_144 = tpu.memref_slice %arg4[%add3A_97, %dma_wait3A_143] : memref<2048x768xf32, #tpu.memory_space<hbm>> -> memref<16x768xf32, #tpu.memory_space<hbm>>
    %dma_wait3A_145 = arith.constant 48 : i32
    %dma_wait3A_146 = arith.constant 0 : i32
    %dma_wait3A_147 = tpu.memref_slice %arg6[%dma_wait3A_145, %dma_wait3A_146] : memref<64x768xf32, #tpu.memory_space<vmem>> -> memref<16x768xf32, #tpu.memory_space<vmem>>
    tpu.wait_dma2 semaphore(%arg8 : memref<!tpu.dma_semaphore, #tpu.memory_space<semaphore_mem>>) src(%dma_wait3A_147 : memref<16x768xf32, #tpu.memory_space<vmem>>) dst(%dma_wait3A_144 : memref<16x768xf32, #tpu.memory_space<hbm>>)
    return
  }
}

#map = affine_map<(d0, d1) -> (0, 0)>
#map1 = affine_map<(d0, d1) -> (0)>
module attributes {stable_mosaic.version = 14 : i64} {
  func.func @k(%arg0: i32, %arg1: i32, %arg2: memref<2048x768xf32, #tpu.memory_space<hbm>>, %arg3: memref<2048xi32, #tpu.memory_space<hbm>>, %arg4: memref<2048x768xf32, #tpu.memory_space<hbm>>, %arg5: memref<64xi32, #tpu.memory_space<vmem>>, %arg6: memref<64x768xf32, #tpu.memory_space<vmem>>, %arg7: memref<!tpu.dma_semaphore, #tpu.memory_space<semaphore_mem>>, %arg8: memref<!tpu.dma_semaphore, #tpu.memory_space<semaphore_mem>>) attributes {dimension_semantics = [#tpu.dimension_semantics<core_parallel>, #tpu.dimension_semantics<subcore_parallel>], iteration_bounds = array<i64: 2, 16>, scalar_prefetch = 0 : i64, scratch_operands = 4 : i64, tpu.core_type = #tpu.core_type<sc_vector_subcore>, window_params = [{transform_indices = #map}, {transform_indices = #map1}, {transform_indices = #map}]} {
    %mul3A = arith.constant 2 : i32
    %mul3A_0 = arith.muli %arg1, %mul3A : i32
    %add3A = arith.addi %mul3A_0, %arg0 : i32
    %mul3A_1 = arith.constant 64 : i32
    %mul3A_2 = arith.muli %add3A, %mul3A_1 : i32
    "tpu.region"() ({
      %run_scoped3A = tpu.sem_alloc : memref<!tpu.dma_semaphore, #tpu.memory_space<semaphore_mem>>
      %dma_start3A_148 = tpu.memref_slice %arg3[%mul3A_2] : memref<2048xi32, #tpu.memory_space<hbm>> -> memref<64xi32, #tpu.memory_space<hbm>>
      %dma_start3A_149 = tpu.memref_slice %arg3[%mul3A_2] : memref<2048xi32, #tpu.memory_space<hbm>> -> memref<64xi32, #tpu.memory_space<hbm>>
      tpu.enqueue_dma source(%dma_start3A_149 : memref<64xi32, #tpu.memory_space<hbm>>) target(%arg5 : memref<64xi32, #tpu.memory_space<vmem>>) target_semaphore(%run_scoped3A : memref<!tpu.dma_semaphore, #tpu.memory_space<semaphore_mem>>)
      %dma_wait3A_150 = tpu.memref_slice %arg3[%mul3A_2] : memref<2048xi32, #tpu.memory_space<hbm>> -> memref<64xi32, #tpu.memory_space<hbm>>
      %dma_wait3A_151 = tpu.memref_slice %arg3[%mul3A_2] : memref<2048xi32, #tpu.memory_space<hbm>> -> memref<64xi32, #tpu.memory_space<hbm>>
      tpu.wait_dma2 semaphore(%run_scoped3A : memref<!tpu.dma_semaphore, #tpu.memory_space<semaphore_mem>>) src(%dma_wait3A_151 : memref<64xi32, #tpu.memory_space<hbm>>) dst(%arg5 : memref<64xi32, #tpu.memory_space<vmem>>)
      tpu.yield
    }) : () -> ()
    %add3A_3 = arith.constant 0 : i32
    %add3A_4 = arith.addi %mul3A_2, %add3A_3 : i32
    %dma_start3A = arith.constant 0 : i32
    %dma_start3A_5 = arith.constant 0 : i32
    %dma_start3A_6 = tpu.memref_slice %arg6[%dma_start3A, %dma_start3A_5] : memref<64x768xf32, #tpu.memory_space<vmem>> -> memref<16x768xf32, #tpu.memory_space<vmem>>
    %dma_start3A_7 = arith.constant 0 : i32
    %dma_start3A_8 = tpu.memref_slice %arg2[%add3A_4, %dma_start3A_7] : memref<2048x768xf32, #tpu.memory_space<hbm>> -> memref<16x768xf32, #tpu.memory_space<hbm>>
    %dma_start3A_9 = arith.constant 0 : i32
    %dma_start3A_10 = arith.constant 0 : i32
    %dma_start3A_11 = tpu.memref_slice %arg6[%dma_start3A_9, %dma_start3A_10] : memref<64x768xf32, #tpu.memory_space<vmem>> -> memref<16x768xf32, #tpu.memory_space<vmem>>
    %dma_start3A_12 = arith.constant 0 : i32
    %dma_start3A_13 = tpu.memref_slice %arg2[%add3A_4, %dma_start3A_12] : memref<2048x768xf32, #tpu.memory_space<hbm>> -> memref<16x768xf32, #tpu.memory_space<hbm>>
    tpu.enqueue_dma source(%dma_start3A_13 : memref<16x768xf32, #tpu.memory_space<hbm>>) target(%dma_start3A_11 : memref<16x768xf32, #tpu.memory_space<vmem>>) target_semaphore(%arg7 : memref<!tpu.dma_semaphore, #tpu.memory_space<semaphore_mem>>)
    %add3A_14 = arith.constant 16 : i32
    %add3A_15 = arith.addi %mul3A_2, %add3A_14 : i32
    %dma_start3A_16 = arith.constant 16 : i32
    %dma_start3A_17 = arith.constant 0 : i32
    %dma_start3A_18 = tpu.memref_slice %arg6[%dma_start3A_16, %dma_start3A_17] : memref<64x768xf32, #tpu.memory_space<vmem>> -> memref<16x768xf32, #tpu.memory_space<vmem>>
    %dma_start3A_19 = arith.constant 0 : i32
    %dma_start3A_20 = tpu.memref_slice %arg2[%add3A_15, %dma_start3A_19] : memref<2048x768xf32, #tpu.memory_space<hbm>> -> memref<16x768xf32, #tpu.memory_space<hbm>>
    %dma_start3A_21 = arith.constant 16 : i32
    %dma_start3A_22 = arith.constant 0 : i32
    %dma_start3A_23 = tpu.memref_slice %arg6[%dma_start3A_21, %dma_start3A_22] : memref<64x768xf32, #tpu.memory_space<vmem>> -> memref<16x768xf32, #tpu.memory_space<vmem>>
    %dma_start3A_24 = arith.constant 0 : i32
    %dma_start3A_25 = tpu.memref_slice %arg2[%add3A_15, %dma_start3A_24] : memref<2048x768xf32, #tpu.memory_space<hbm>> -> memref<16x768xf32, #tpu.memory_space<hbm>>
    tpu.enqueue_dma source(%dma_start3A_25 : memref<16x768xf32, #tpu.memory_space<hbm>>) target(%dma_start3A_23 : memref<16x768xf32, #tpu.memory_space<vmem>>) target_semaphore(%arg7 : memref<!tpu.dma_semaphore, #tpu.memory_space<semaphore_mem>>)
    %add3A_26 = arith.constant 32 : i32
    %add3A_27 = arith.addi %mul3A_2, %add3A_26 : i32
    %dma_start3A_28 = arith.constant 32 : i32
    %dma_start3A_29 = arith.constant 0 : i32
    %dma_start3A_30 = tpu.memref_slice %arg6[%dma_start3A_28, %dma_start3A_29] : memref<64x768xf32, #tpu.memory_space<vmem>> -> memref<16x768xf32, #tpu.memory_space<vmem>>
    %dma_start3A_31 = arith.constant 0 : i32
    %dma_start3A_32 = tpu.memref_slice %arg2[%add3A_27, %dma_start3A_31] : memref<2048x768xf32, #tpu.memory_space<hbm>> -> memref<16x768xf32, #tpu.memory_space<hbm>>
    %dma_start3A_33 = arith.constant 32 : i32
    %dma_start3A_34 = arith.constant 0 : i32
    %dma_start3A_35 = tpu.memref_slice %arg6[%dma_start3A_33, %dma_start3A_34] : memref<64x768xf32, #tpu.memory_space<vmem>> -> memref<16x768xf32, #tpu.memory_space<vmem>>
    %dma_start3A_36 = arith.constant 0 : i32
    %dma_start3A_37 = tpu.memref_slice %arg2[%add3A_27, %dma_start3A_36] : memref<2048x768xf32, #tpu.memory_space<hbm>> -> memref<16x768xf32, #tpu.memory_space<hbm>>
    tpu.enqueue_dma source(%dma_start3A_37 : memref<16x768xf32, #tpu.memory_space<hbm>>) target(%dma_start3A_35 : memref<16x768xf32, #tpu.memory_space<vmem>>) target_semaphore(%arg7 : memref<!tpu.dma_semaphore, #tpu.memory_space<semaphore_mem>>)
    %add3A_38 = arith.constant 48 : i32
    %add3A_39 = arith.addi %mul3A_2, %add3A_38 : i32
    %dma_start3A_40 = arith.constant 48 : i32
    %dma_start3A_41 = arith.constant 0 : i32
    %dma_start3A_42 = tpu.memref_slice %arg6[%dma_start3A_40, %dma_start3A_41] : memref<64x768xf32, #tpu.memory_space<vmem>> -> memref<16x768xf32, #tpu.memory_space<vmem>>
    %dma_start3A_43 = arith.constant 0 : i32
    %dma_start3A_44 = tpu.memref_slice %arg2[%add3A_39, %dma_start3A_43] : memref<2048x768xf32, #tpu.memory_space<hbm>> -> memref<16x768xf32, #tpu.memory_space<hbm>>
    %dma_start3A_45 = arith.constant 48 : i32
    %dma_start3A_46 = arith.constant 0 : i32
    %dma_start3A_47 = tpu.memref_slice %arg6[%dma_start3A_45, %dma_start3A_46] : memref<64x768xf32, #tpu.memory_space<vmem>> -> memref<16x768xf32, #tpu.memory_space<vmem>>
    %dma_start3A_48 = arith.constant 0 : i32
    %dma_start3A_49 = tpu.memref_slice %arg2[%add3A_39, %dma_start3A_48] : memref<2048x768xf32, #tpu.memory_space<hbm>> -> memref<16x768xf32, #tpu.memory_space<hbm>>
    tpu.enqueue_dma source(%dma_start3A_49 : memref<16x768xf32, #tpu.memory_space<hbm>>) target(%dma_start3A_47 : memref<16x768xf32, #tpu.memory_space<vmem>>) target_semaphore(%arg7 : memref<!tpu.dma_semaphore, #tpu.memory_space<semaphore_mem>>)
    %dma_wait3A = arith.constant 0 : i32
    %dma_wait3A_50 = arith.constant 0 : i32
    %dma_wait3A_51 = tpu.memref_slice %arg6[%dma_wait3A, %dma_wait3A_50] : memref<64x768xf32, #tpu.memory_space<vmem>> -> memref<16x768xf32, #tpu.memory_space<vmem>>
    %dma_wait3A_52 = arith.constant 0 : i32
    %dma_wait3A_53 = tpu.memref_slice %arg2[%add3A_4, %dma_wait3A_52] : memref<2048x768xf32, #tpu.memory_space<hbm>> -> memref<16x768xf32, #tpu.memory_space<hbm>>
    %dma_wait3A_54 = arith.constant 0 : i32
    %dma_wait3A_55 = arith.constant 0 : i32
    %dma_wait3A_56 = tpu.memref_slice %arg6[%dma_wait3A_54, %dma_wait3A_55] : memref<64x768xf32, #tpu.memory_space<vmem>> -> memref<16x768xf32, #tpu.memory_space<vmem>>
    %dma_wait3A_57 = arith.constant 0 : i32
    %dma_wait3A_58 = tpu.memref_slice %arg2[%add3A_4, %dma_wait3A_57] : memref<2048x768xf32, #tpu.memory_space<hbm>> -> memref<16x768xf32, #tpu.memory_space<hbm>>
    tpu.wait_dma2 semaphore(%arg7 : memref<!tpu.dma_semaphore, #tpu.memory_space<semaphore_mem>>) src(%dma_wait3A_58 : memref<16x768xf32, #tpu.memory_space<hbm>>) dst(%dma_wait3A_56 : memref<16x768xf32, #tpu.memory_space<vmem>>)
    %get3A = arith.constant 0 : index
    %get3A_59 = tpu.vector_load %arg5[%get3A] {strides = array<i32>} : memref<64xi32, #tpu.memory_space<vmem>>, vector<16xi32>,
    %get3A_60 = vector.shape_cast %get3A_59 : vector<16xi32> to vector<16xi32>
    %dma_start3A_61 = arith.constant 0 : i32
    %dma_start3A_62 = arith.constant 0 : i32
    %dma_start3A_63 = tpu.memref_slice %arg6[%dma_start3A_61, %dma_start3A_62] : memref<64x768xf32, #tpu.memory_space<vmem>> -> memref<16x768xf32, #tpu.memory_space<vmem>>
    %dma_start3A_64 = arith.constant 0 : i32
    %dma_start3A_65 = arith.constant 0 : i32
    %dma_start3A_66 = tpu.memref_slice %arg4[%dma_start3A_64, %dma_start3A_65] : memref<2048x768xf32, #tpu.memory_space<hbm>> -> memref<2048x768xf32, #tpu.memory_space<hbm>>
    tpu.enqueue_indirect_dma source(%dma_start3A_63 : memref<16x768xf32, #tpu.memory_space<vmem>>) target(%dma_start3A_66 : memref<2048x768xf32, #tpu.memory_space<hbm>>) offsets(%get3A_60 : vector<16xi32>) semaphore(%arg8 : memref<!tpu.dma_semaphore, #tpu.memory_space<semaphore_mem>>)
    %dma_wait3A_67 = arith.constant 16 : i32
    %dma_wait3A_68 = arith.constant 0 : i32
    %dma_wait3A_69 = tpu.memref_slice %arg6[%dma_wait3A_67, %dma_wait3A_68] : memref<64x768xf32, #tpu.memory_space<vmem>> -> memref<16x768xf32, #tpu.memory_space<vmem>>
    %dma_wait3A_70 = arith.constant 0 : i32
    %dma_wait3A_71 = tpu.memref_slice %arg2[%add3A_15, %dma_wait3A_70] : memref<2048x768xf32, #tpu.memory_space<hbm>> -> memref<16x768xf32, #tpu.memory_space<hbm>>
    %dma_wait3A_72 = arith.constant 16 : i32
    %dma_wait3A_73 = arith.constant 0 : i32
    %dma_wait3A_74 = tpu.memref_slice %arg6[%dma_wait3A_72, %dma_wait3A_73] : memref<64x768xf32, #tpu.memory_space<vmem>> -> memref<16x768xf32, #tpu.memory_space<vmem>>
    %dma_wait3A_75 = arith.constant 0 : i32
    %dma_wait3A_76 = tpu.memref_slice %arg2[%add3A_15, %dma_wait3A_75] : memref<2048x768xf32, #tpu.memory_space<hbm>> -> memref<16x768xf32, #tpu.memory_space<hbm>>
    tpu.wait_dma2 semaphore(%arg7 : memref<!tpu.dma_semaphore, #tpu.memory_space<semaphore_mem>>) src(%dma_wait3A_76 : memref<16x768xf32, #tpu.memory_space<hbm>>) dst(%dma_wait3A_74 : memref<16x768xf32, #tpu.memory_space<vmem>>)
    %get3A_77 = arith.constant 16 : index
    %get3A_78 = tpu.vector_load %arg5[%get3A_77] {strides = array<i32>} : memref<64xi32, #tpu.memory_space<vmem>>, vector<16xi32>,
    %get3A_79 = vector.shape_cast %get3A_78 : vector<16xi32> to vector<16xi32>
    %dma_start3A_80 = arith.constant 16 : i32
    %dma_start3A_81 = arith.constant 0 : i32
    %dma_start3A_82 = tpu.memref_slice %arg6[%dma_start3A_80, %dma_start3A_81] : memref<64x768xf32, #tpu.memory_space<vmem>> -> memref<16x768xf32, #tpu.memory_space<vmem>>
    %dma_start3A_83 = arith.constant 0 : i32
    %dma_start3A_84 = arith.constant 0 : i32
    %dma_start3A_85 = tpu.memref_slice %arg4[%dma_start3A_83, %dma_start3A_84] : memref<2048x768xf32, #tpu.memory_space<hbm>> -> memref<2048x768xf32, #tpu.memory_space<hbm>>
    tpu.enqueue_indirect_dma source(%dma_start3A_82 : memref<16x768xf32, #tpu.memory_space<vmem>>) target(%dma_start3A_85 : memref<2048x768xf32, #tpu.memory_space<hbm>>) offsets(%get3A_79 : vector<16xi32>) semaphore(%arg8 : memref<!tpu.dma_semaphore, #tpu.memory_space<semaphore_mem>>)
    %dma_wait3A_86 = arith.constant 32 : i32
    %dma_wait3A_87 = arith.constant 0 : i32
    %dma_wait3A_88 = tpu.memref_slice %arg6[%dma_wait3A_86, %dma_wait3A_87] : memref<64x768xf32, #tpu.memory_space<vmem>> -> memref<16x768xf32, #tpu.memory_space<vmem>>
    %dma_wait3A_89 = arith.constant 0 : i32
    %dma_wait3A_90 = tpu.memref_slice %arg2[%add3A_27, %dma_wait3A_89] : memref<2048x768xf32, #tpu.memory_space<hbm>> -> memref<16x768xf32, #tpu.memory_space<hbm>>
    %dma_wait3A_91 = arith.constant 32 : i32
    %dma_wait3A_92 = arith.constant 0 : i32
    %dma_wait3A_93 = tpu.memref_slice %arg6[%dma_wait3A_91, %dma_wait3A_92] : memref<64x768xf32, #tpu.memory_space<vmem>> -> memref<16x768xf32, #tpu.memory_space<vmem>>
    %dma_wait3A_94 = arith.constant 0 : i32
    %dma_wait3A_95 = tpu.memref_slice %arg2[%add3A_27, %dma_wait3A_94] : memref<2048x768xf32, #tpu.memory_space<hbm>> -> memref<16x768xf32, #tpu.memory_space<hbm>>
    tpu.wait_dma2 semaphore(%arg7 : memref<!tpu.dma_semaphore, #tpu.memory_space<semaphore_mem>>) src(%dma_wait3A_95 : memref<16x768xf32, #tpu.memory_space<hbm>>) dst(%dma_wait3A_93 : memref<16x768xf32, #tpu.memory_space<vmem>>)
    %get3A_96 = arith.constant 32 : index
    %get3A_97 = tpu.vector_load %arg5[%get3A_96] {strides = array<i32>} : memref<64xi32, #tpu.memory_space<vmem>>, vector<16xi32>,
    %get3A_98 = vector.shape_cast %get3A_97 : vector<16xi32> to vector<16xi32>
    %dma_start3A_99 = arith.constant 32 : i32
    %dma_start3A_100 = arith.constant 0 : i32
    %dma_start3A_101 = tpu.memref_slice %arg6[%dma_start3A_99, %dma_start3A_100] : memref<64x768xf32, #tpu.memory_space<vmem>> -> memref<16x768xf32, #tpu.memory_space<vmem>>
    %dma_start3A_102 = arith.constant 0 : i32
    %dma_start3A_103 = arith.constant 0 : i32
    %dma_start3A_104 = tpu.memref_slice %arg4[%dma_start3A_102, %dma_start3A_103] : memref<2048x768xf32, #tpu.memory_space<hbm>> -> memref<2048x768xf32, #tpu.memory_space<hbm>>
    tpu.enqueue_indirect_dma source(%dma_start3A_101 : memref<16x768xf32, #tpu.memory_space<vmem>>) target(%dma_start3A_104 : memref<2048x768xf32, #tpu.memory_space<hbm>>) offsets(%get3A_98 : vector<16xi32>) semaphore(%arg8 : memref<!tpu.dma_semaphore, #tpu.memory_space<semaphore_mem>>)
    %dma_wait3A_105 = arith.constant 48 : i32
    %dma_wait3A_106 = arith.constant 0 : i32
    %dma_wait3A_107 = tpu.memref_slice %arg6[%dma_wait3A_105, %dma_wait3A_106] : memref<64x768xf32, #tpu.memory_space<vmem>> -> memref<16x768xf32, #tpu.memory_space<vmem>>
    %dma_wait3A_108 = arith.constant 0 : i32
    %dma_wait3A_109 = tpu.memref_slice %arg2[%add3A_39, %dma_wait3A_108] : memref<2048x768xf32, #tpu.memory_space<hbm>> -> memref<16x768xf32, #tpu.memory_space<hbm>>
    %dma_wait3A_110 = arith.constant 48 : i32
    %dma_wait3A_111 = arith.constant 0 : i32
    %dma_wait3A_112 = tpu.memref_slice %arg6[%dma_wait3A_110, %dma_wait3A_111] : memref<64x768xf32, #tpu.memory_space<vmem>> -> memref<16x768xf32, #tpu.memory_space<vmem>>
    %dma_wait3A_113 = arith.constant 0 : i32
    %dma_wait3A_114 = tpu.memref_slice %arg2[%add3A_39, %dma_wait3A_113] : memref<2048x768xf32, #tpu.memory_space<hbm>> -> memref<16x768xf32, #tpu.memory_space<hbm>>
    tpu.wait_dma2 semaphore(%arg7 : memref<!tpu.dma_semaphore, #tpu.memory_space<semaphore_mem>>) src(%dma_wait3A_114 : memref<16x768xf32, #tpu.memory_space<hbm>>) dst(%dma_wait3A_112 : memref<16x768xf32, #tpu.memory_space<vmem>>)
    %get3A_115 = arith.constant 48 : index
    %get3A_116 = tpu.vector_load %arg5[%get3A_115] {strides = array<i32>} : memref<64xi32, #tpu.memory_space<vmem>>, vector<16xi32>,
    %get3A_117 = vector.shape_cast %get3A_116 : vector<16xi32> to vector<16xi32>
    %dma_start3A_118 = arith.constant 48 : i32
    %dma_start3A_119 = arith.constant 0 : i32
    %dma_start3A_120 = tpu.memref_slice %arg6[%dma_start3A_118, %dma_start3A_119] : memref<64x768xf32, #tpu.memory_space<vmem>> -> memref<16x768xf32, #tpu.memory_space<vmem>>
    %dma_start3A_121 = arith.constant 0 : i32
    %dma_start3A_122 = arith.constant 0 : i32
    %dma_start3A_123 = tpu.memref_slice %arg4[%dma_start3A_121, %dma_start3A_122] : memref<2048x768xf32, #tpu.memory_space<hbm>> -> memref<2048x768xf32, #tpu.memory_space<hbm>>
    tpu.enqueue_indirect_dma source(%dma_start3A_120 : memref<16x768xf32, #tpu.memory_space<vmem>>) target(%dma_start3A_123 : memref<2048x768xf32, #tpu.memory_space<hbm>>) offsets(%get3A_117 : vector<16xi32>) semaphore(%arg8 : memref<!tpu.dma_semaphore, #tpu.memory_space<semaphore_mem>>)
    %dma_wait3A_124 = arith.constant 0 : i32
    %dma_wait3A_125 = arith.constant 0 : i32
    %dma_wait3A_126 = tpu.memref_slice %arg6[%dma_wait3A_124, %dma_wait3A_125] : memref<64x768xf32, #tpu.memory_space<vmem>> -> memref<16x768xf32, #tpu.memory_space<vmem>>
    %dma_wait3A_127 = arith.constant 0 : i32
    %dma_wait3A_128 = arith.constant 0 : i32
    %dma_wait3A_129 = tpu.memref_slice %arg4[%dma_wait3A_127, %dma_wait3A_128] : memref<2048x768xf32, #tpu.memory_space<hbm>> -> memref<2048x768xf32, #tpu.memory_space<hbm>>
    tpu.wait_indirect_dma semaphore(%arg8 : memref<!tpu.dma_semaphore, #tpu.memory_space<semaphore_mem>>) src(%dma_wait3A_126 : memref<16x768xf32, #tpu.memory_space<vmem>>) dst(%dma_wait3A_129 : memref<2048x768xf32, #tpu.memory_space<hbm>>)
    %dma_wait3A_130 = arith.constant 16 : i32
    %dma_wait3A_131 = arith.constant 0 : i32
    %dma_wait3A_132 = tpu.memref_slice %arg6[%dma_wait3A_130, %dma_wait3A_131] : memref<64x768xf32, #tpu.memory_space<vmem>> -> memref<16x768xf32, #tpu.memory_space<vmem>>
    %dma_wait3A_133 = arith.constant 0 : i32
    %dma_wait3A_134 = arith.constant 0 : i32
    %dma_wait3A_135 = tpu.memref_slice %arg4[%dma_wait3A_133, %dma_wait3A_134] : memref<2048x768xf32, #tpu.memory_space<hbm>> -> memref<2048x768xf32, #tpu.memory_space<hbm>>
    tpu.wait_indirect_dma semaphore(%arg8 : memref<!tpu.dma_semaphore, #tpu.memory_space<semaphore_mem>>) src(%dma_wait3A_132 : memref<16x768xf32, #tpu.memory_space<vmem>>) dst(%dma_wait3A_135 : memref<2048x768xf32, #tpu.memory_space<hbm>>)
    %dma_wait3A_136 = arith.constant 32 : i32
    %dma_wait3A_137 = arith.constant 0 : i32
    %dma_wait3A_138 = tpu.memref_slice %arg6[%dma_wait3A_136, %dma_wait3A_137] : memref<64x768xf32, #tpu.memory_space<vmem>> -> memref<16x768xf32, #tpu.memory_space<vmem>>
    %dma_wait3A_139 = arith.constant 0 : i32
    %dma_wait3A_140 = arith.constant 0 : i32
    %dma_wait3A_141 = tpu.memref_slice %arg4[%dma_wait3A_139, %dma_wait3A_140] : memref<2048x768xf32, #tpu.memory_space<hbm>> -> memref<2048x768xf32, #tpu.memory_space<hbm>>
    tpu.wait_indirect_dma semaphore(%arg8 : memref<!tpu.dma_semaphore, #tpu.memory_space<semaphore_mem>>) src(%dma_wait3A_138 : memref<16x768xf32, #tpu.memory_space<vmem>>) dst(%dma_wait3A_141 : memref<2048x768xf32, #tpu.memory_space<hbm>>)
    %dma_wait3A_142 = arith.constant 48 : i32
    %dma_wait3A_143 = arith.constant 0 : i32
    %dma_wait3A_144 = tpu.memref_slice %arg6[%dma_wait3A_142, %dma_wait3A_143] : memref<64x768xf32, #tpu.memory_space<vmem>> -> memref<16x768xf32, #tpu.memory_space<vmem>>
    %dma_wait3A_145 = arith.constant 0 : i32
    %dma_wait3A_146 = arith.constant 0 : i32
    %dma_wait3A_147 = tpu.memref_slice %arg4[%dma_wait3A_145, %dma_wait3A_146] : memref<2048x768xf32, #tpu.memory_space<hbm>> -> memref<2048x768xf32, #tpu.memory_space<hbm>>
    tpu.wait_indirect_dma semaphore(%arg8 : memref<!tpu.dma_semaphore, #tpu.memory_space<semaphore_mem>>) src(%dma_wait3A_144 : memref<16x768xf32, #tpu.memory_space<vmem>>) dst(%dma_wait3A_147 : memref<2048x768xf32, #tpu.memory_space<hbm>>)
    return
  }
}

module attributes {stable_mosaic.version = 14 : i64} {
  func.func @_route_body(%arg0: memref<2048x768xf32, #tpu.memory_space<vmem>>, %arg1: memref<16x768xf32, #tpu.memory_space<vmem>>, %arg2: memref<1x16xf32, #tpu.memory_space<vmem>>, %arg3: memref<16x128xi32, #tpu.memory_space<vmem>>, %arg4: memref<1x16xi32, #tpu.memory_space<vmem>>, %arg5: memref<2048x16xf32, #tpu.memory_space<vmem>>, %arg6: memref<16x16xf32, #tpu.memory_space<vmem>>) attributes {dimension_semantics = [], scalar_prefetch = 0 : i64, scratch_operands = 2 : i64, tpu.core_type = #tpu.core_type<tc>} {
    %get3A = arith.constant 0 : index
    %get3A_0 = arith.constant 0 : index
    %get3A_1 = vector.load %arg0[%get3A, %get3A_0] : memref<2048x768xf32, #tpu.memory_space<vmem>>, vector<2048x768xf32>
    %get3A_2 = arith.constant 0 : index
    %get3A_3 = arith.constant 0 : index
    %get3A_4 = vector.load %arg1[%get3A_2, %get3A_3] : memref<16x768xf32, #tpu.memory_space<vmem>>, vector<16x768xf32>
    %dot_general3A = arith.constant dense<0.000000e+00> : vector<2048x16xf32>
    %dot_general3A_5 = tpu.matmul %get3A_1, %get3A_4, %dot_general3A {dimension_numbers = #tpu.dot_dimension_numbers<[1], [1], [0], [0], [0, 0, 1, 0], [], []>, transpose_lhs_hint = false} : vector<2048x768xf32>, vector<16x768xf32>, vector<2048x16xf32> -> vector<2048x16xf32>
    %get3A_6 = arith.constant 0 : index
    %get3A_7 = arith.constant 0 : index
    %get3A_8 = vector.load %arg2[%get3A_6, %get3A_7] : memref<1x16xf32, #tpu.memory_space<vmem>>, vector<1x16xf32>
    %add3A = vector.broadcast %get3A_8 : vector<1x16xf32> to vector<2048x16xf32>
    %add3A_9 = arith.addf %dot_general3A_5, %add3A : vector<2048x16xf32>
    %iota3A = tpu.iota {dimensions = array<i32: 1>} : vector<2048x16xi32>
    %convert_element_type3A = arith.sitofp %iota3A : vector<2048x16xi32> to vector<2048x16xf32>
    %reduce_max3A = arith.constant dense<0xFF800000> : vector<2048xf32>
    %reduce_max3A_10 = vector.multi_reduction <maximumf>, %add3A_9, %reduce_max3A [1] : vector<2048x16xf32> to vector<2048xf32>
    %broadcast_in_dim3A = vector.shape_cast %reduce_max3A_10 : vector<2048xf32> to vector<2048x1xf32>
    %eq3A = vector.broadcast %broadcast_in_dim3A : vector<2048x1xf32> to vector<2048x16xf32>
    %eq3A_11 = arith.cmpf oeq, %add3A_9, %eq3A : vector<2048x16xf32>
    %jit3A = arith.constant 1.600000e+01 : f32
    %broadcast_in_dim3A_12 = vector.broadcast %jit3A : f32 to vector<2048x16xf32>
    %select_n3A = arith.select %eq3A_11, %convert_element_type3A, %broadcast_in_dim3A_12 : vector<2048x16xi1>, vector<2048x16xf32>
    %reduce_min3A = arith.constant dense<0x7F800000> : vector<2048xf32>
    %reduce_min3A_13 = vector.multi_reduction <minimumf>, %select_n3A, %reduce_min3A [1] : vector<2048x16xf32> to vector<2048xf32>
    %broadcast_in_dim3A_14 = vector.shape_cast %reduce_min3A_13 : vector<2048xf32> to vector<2048x1xf32>
    %eq3A_15 = vector.broadcast %broadcast_in_dim3A_14 : vector<2048x1xf32> to vector<2048x16xf32>
    %eq3A_16 = arith.cmpf oeq, %convert_element_type3A, %eq3A_15 : vector<2048x16xf32>
    %convert_element_type3A_17 = arith.extui %eq3A_16 : vector<2048x16xi1> to vector<2048x16xi32>
    %convert_element_type3A_18 = arith.sitofp %convert_element_type3A_17 : vector<2048x16xi32> to vector<2048x16xf32>
    %swap3A = arith.constant 0 : index
    %swap3A_19 = arith.constant 0 : index
    %swap3A_20 = vector.load %arg5[%swap3A, %swap3A_19] : memref<2048x16xf32, #tpu.memory_space<vmem>>, vector<2048x16xf32>
    tpu.vector_store %arg5[%swap3A, %swap3A_19], %convert_element_type3A_18 {strides = array<i32>} : memref<2048x16xf32, #tpu.memory_space<vmem>>, vector<2048x16xf32>,
    %reshape3A = vector.shape_cast %convert_element_type3A_18 : vector<2048x16xf32> to vector<16x128x16xf32>
    %reduce_sum3A = arith.constant dense<0.000000e+00> : vector<16x16xf32>
    %reduce_sum3A_21 = vector.multi_reduction <add>, %reshape3A, %reduce_sum3A [1] : vector<16x128x16xf32> to vector<16x16xf32>
    %iota3A_22 = tpu.iota {dimensions = array<i32: 1>} : vector<16x16xi32>
    %iota3A_23 = tpu.iota {dimensions = array<i32: 0>} : vector<16x16xi32>
    %lt3A = arith.cmpi slt, %iota3A_22, %iota3A_23 : vector<16x16xi32>
    %convert_element_type3A_24 = arith.extui %lt3A : vector<16x16xi1> to vector<16x16xi32>
    %convert_element_type3A_25 = arith.sitofp %convert_element_type3A_24 : vector<16x16xi32> to vector<16x16xf32>
    %dot_general3A_26 = arith.constant dense<0.000000e+00> : vector<16x16xf32>
    %dot_general3A_27 = tpu.matmul %convert_element_type3A_25, %reduce_sum3A_21, %dot_general3A_26 {dimension_numbers = #tpu.dot_dimension_numbers<[1], [0], [0], [1], [0, 0, 1, 1], [], []>, transpose_lhs_hint = false} : vector<16x16xf32>, vector<16x16xf32>, vector<16x16xf32> -> vector<16x16xf32>
    %swap3A_28 = arith.constant 0 : index
    %swap3A_29 = arith.constant 0 : index
    %swap3A_30 = vector.load %arg6[%swap3A_28, %swap3A_29] : memref<16x16xf32, #tpu.memory_space<vmem>>, vector<16x16xf32>
    tpu.vector_store %arg6[%swap3A_28, %swap3A_29], %dot_general3A_27 {strides = array<i32>} : memref<16x16xf32, #tpu.memory_space<vmem>>, vector<16x16xf32>,
    %reduce_sum3A_31 = arith.constant dense<0.000000e+00> : vector<16xf32>
    %reduce_sum3A_32 = vector.multi_reduction <add>, %reduce_sum3A_21, %reduce_sum3A_31 [0] : vector<16x16xf32> to vector<16xf32>
    %broadcast_in_dim3A_33 = vector.shape_cast %reduce_sum3A_32 : vector<16xf32> to vector<1x16xf32>
    %iota3A_34 = tpu.iota {dimensions = array<i32: 0>} : vector<16x16xi32>
    %iota3A_35 = tpu.iota {dimensions = array<i32: 1>} : vector<16x16xi32>
    %lt3A_36 = arith.cmpi slt, %iota3A_34, %iota3A_35 : vector<16x16xi32>
    %convert_element_type3A_37 = arith.extui %lt3A_36 : vector<16x16xi1> to vector<16x16xi32>
    %convert_element_type3A_38 = arith.sitofp %convert_element_type3A_37 : vector<16x16xi32> to vector<16x16xf32>
    %dot_general3A_39 = arith.constant dense<0.000000e+00> : vector<1x16xf32>
    %dot_general3A_40 = tpu.matmul %broadcast_in_dim3A_33, %convert_element_type3A_38, %dot_general3A_39 {dimension_numbers = #tpu.dot_dimension_numbers<[1], [0], [0], [1], [0, 0, 1, 1], [], []>, transpose_lhs_hint = false} : vector<1x16xf32>, vector<16x16xf32>, vector<1x16xf32> -> vector<1x16xf32>
    %convert_element_type3A_41 = arith.fptosi %dot_general3A_40 : vector<1x16xf32> to vector<1x16xi32>
    %swap3A_42 = arith.constant 0 : index
    %swap3A_43 = arith.constant 0 : index
    %swap3A_44 = vector.load %arg4[%swap3A_42, %swap3A_43] : memref<1x16xi32, #tpu.memory_space<vmem>>, vector<1x16xi32>
    tpu.vector_store %arg4[%swap3A_42, %swap3A_43], %convert_element_type3A_41 {strides = array<i32>} : memref<1x16xi32, #tpu.memory_space<vmem>>, vector<1x16xi32>,
    %iota3A_45 = tpu.iota {dimensions = array<i32: 1>} : vector<128x128xi32>
    %iota3A_46 = tpu.iota {dimensions = array<i32: 0>} : vector<128x128xi32>
    %lt3A_47 = arith.cmpi slt, %iota3A_45, %iota3A_46 : vector<128x128xi32>
    %convert_element_type3A_48 = arith.extui %lt3A_47 : vector<128x128xi1> to vector<128x128xi32>
    %convert_element_type3A_49 = arith.sitofp %convert_element_type3A_48 : vector<128x128xi32> to vector<128x128xf32>
    %scan3A = arith.constant 0 : i32
    %scan3A_50 = arith.constant 16 : i32
    %scan3A_51 = arith.addi %scan3A, %scan3A_50 : i32
    %scan3A_52 = arith.constant 1 : i32
    scf.for %scan3A_54 = %scan3A to %scan3A_51 step %scan3A_52  : i32 {
      %mul3A = arith.constant 128 : i32
      %mul3A_55 = arith.muli %scan3A_54, %mul3A : i32
      %get3A_56 = arith.index_cast %mul3A_55 : i32 to index
      %get3A_57 = arith.constant 0 : index
      %get3A_58 = vector.load %arg5[%get3A_56, %get3A_57] : memref<2048x16xf32, #tpu.memory_space<vmem>>, vector<128x16xf32>
      %dot_general3A_59 = arith.constant dense<0.000000e+00> : vector<128x16xf32>
      %dot_general3A_60 = tpu.matmul %convert_element_type3A_49, %get3A_58, %dot_general3A_59 {dimension_numbers = #tpu.dot_dimension_numbers<[1], [0], [0], [1], [0, 0, 1, 1], [], []>, transpose_lhs_hint = false} : vector<128x128xf32>, vector<128x16xf32>, vector<128x16xf32> -> vector<128x16xf32>
      %get3A_61 = arith.index_cast %scan3A_54 : i32 to index
      %get3A_62 = arith.constant 0 : index
      %get3A_63 = vector.load %arg6[%get3A_61, %get3A_62] : memref<16x16xf32, #tpu.memory_space<vmem>>, vector<1x16xf32>
      %add3A_64 = vector.broadcast %get3A_63 : vector<1x16xf32> to vector<128x16xf32>
      %add3A_65 = arith.addf %dot_general3A_60, %add3A_64 : vector<128x16xf32>
      %add3A_66 = vector.broadcast %dot_general3A_40 : vector<1x16xf32> to vector<128x16xf32>
      %add3A_67 = arith.addf %add3A_66, %add3A_65 : vector<128x16xf32>
      %mul3A_68 = arith.mulf %get3A_58, %add3A_67 : vector<128x16xf32>
      %reduce_sum3A_69 = arith.constant dense<0.000000e+00> : vector<128xf32>
      %reduce_sum3A_70 = vector.multi_reduction <add>, %mul3A_68, %reduce_sum3A_69 [1] : vector<128x16xf32> to vector<128xf32>
      %convert_element_type3A_71 = arith.fptosi %reduce_sum3A_70 : vector<128xf32> to vector<128xi32>
      %reshape3A_72 = vector.shape_cast %convert_element_type3A_71 : vector<128xi32> to vector<1x128xi32>
      %swap3A_73 = arith.index_cast %scan3A_54 : i32 to index
      %swap3A_74 = arith.constant 0 : index
      %swap3A_75 = vector.load %arg3[%swap3A_73, %swap3A_74] : memref<16x128xi32, #tpu.memory_space<vmem>>, vector<1x128xi32>
      tpu.vector_store %arg3[%swap3A_73, %swap3A_74], %reshape3A_72 {strides = array<i32>} : memref<16x128xi32, #tpu.memory_space<vmem>>, vector<1x128xi32>,
    }
    %scan3A_53 = arith.constant 16 : i32
    return
  }
}

module attributes {stable_mosaic.version = 14 : i64} {
  func.func @_mlp_body(%arg0: i32, %arg1: memref<1x16xi32, #tpu.memory_space<smem>>, %arg2: memref<2048x768xf32, #tpu.memory_space<vmem>>, %arg3: memref<1x1024x768xf32, #tpu.memory_space<vmem>>, %arg4: memref<1x1x1024xf32, #tpu.memory_space<vmem>>, %arg5: memref<1x768x1024xf32, #tpu.memory_space<vmem>>, %arg6: memref<1x1x768xf32, #tpu.memory_space<vmem>>, %arg7: memref<2048x768xf32, #tpu.memory_space<vmem>>) attributes {dimension_semantics = [#tpu.dimension_semantics<arbitrary>], iteration_bounds = array<i64: 16>, scalar_prefetch = 1 : i64, scratch_operands = 0 : i64, tpu.core_type = #tpu.core_type<tc>, window_params = [{pipeline_mode = #tpu.pipeline_mode<synchronous>, transform_indices = @transform_0, window_bounds = array<i64: 2048, 768>}, {transform_indices = @transform_1, window_bounds = array<i64: 1, 1024, 768>}, {transform_indices = @transform_2, window_bounds = array<i64: 1, 1, 1024>}, {transform_indices = @transform_3, window_bounds = array<i64: 1, 768, 1024>}, {transform_indices = @transform_4, window_bounds = array<i64: 1, 1, 768>}, {pipeline_mode = #tpu.pipeline_mode<synchronous>, transform_indices = @transform_5, window_bounds = array<i64: 2048, 768>}]} {
    %get3A = arith.constant 0 : index
    %get3A_0 = arith.index_cast %arg0 : i32 to index
    %get3A_1 = memref.load %arg1[%get3A, %get3A_0] : memref<1x16xi32, #tpu.memory_space<smem>>
    %eq3A = arith.constant 15 : i32
    %eq3A_2 = arith.cmpi eq, %arg0, %eq3A : i32
    %add3A = arith.constant 1 : i32
    %add3A_3 = arith.addi %arg0, %add3A : i32
    %min3A = arith.constant 15 : i32
    %min3A_4 = arith.minsi %add3A_3, %min3A : i32
    %get3A_5 = arith.constant 0 : index
    %get3A_6 = arith.index_cast %min3A_4 : i32 to index
    %get3A_7 = memref.load %arg1[%get3A_5, %get3A_6] : memref<1x16xi32, #tpu.memory_space<smem>>
    %jit3A = arith.constant 2048 : i32
    %select_n3A = arith.select %eq3A_2, %jit3A, %get3A_7 : i32
    %jit3A_8 = arith.constant 8 : i32
    %div3A = arith.divsi %get3A_1, %jit3A_8 : i32
    %sign3A = arith.constant 0 : i32
    %sign3A_9 = arith.cmpi sgt, %get3A_1, %sign3A : i32
    %sign3A_10 = arith.extui %sign3A_9 : i1 to i32
    %sign3A_11 = arith.constant 0 : i32
    %sign3A_12 = arith.cmpi slt, %get3A_1, %sign3A_11 : i32
    %sign3A_13 = arith.extui %sign3A_12 : i1 to i32
    %sign3A_14 = arith.subi %sign3A_10, %sign3A_13 : i32
    %sign3A_15 = arith.constant 0 : i32
    %sign3A_16 = arith.cmpi sgt, %jit3A_8, %sign3A_15 : i32
    %sign3A_17 = arith.extui %sign3A_16 : i1 to i32
    %sign3A_18 = arith.constant 0 : i32
    %sign3A_19 = arith.cmpi slt, %jit3A_8, %sign3A_18 : i32
    %sign3A_20 = arith.extui %sign3A_19 : i1 to i32
    %sign3A_21 = arith.subi %sign3A_17, %sign3A_20 : i32
    %ne3A = arith.cmpi ne, %sign3A_14, %sign3A_21 : i32
    %rem3A = arith.remsi %get3A_1, %jit3A_8 : i32
    %ne3A_22 = arith.constant 0 : i32
    %ne3A_23 = arith.cmpi ne, %rem3A, %ne3A_22 : i32
    %and3A = arith.andi %ne3A, %ne3A_23 : i1
    %sub3A = arith.constant 1 : i32
    %sub3A_24 = arith.subi %div3A, %sub3A : i32
    %select_n3A_25 = arith.select %and3A, %sub3A_24, %div3A : i32
    %mul3A = arith.constant 8 : i32
    %mul3A_26 = arith.muli %select_n3A_25, %mul3A : i32
    %sub3A_27 = arith.subi %select_n3A, %mul3A_26 : i32
    %add3A_28 = arith.constant 192 : i32
    %add3A_29 = arith.addi %sub3A_27, %add3A_28 : i32
    %sub3A_30 = arith.constant 1 : i32
    %sub3A_31 = arith.subi %add3A_29, %sub3A_30 : i32
    %jit3A_32 = arith.constant 192 : i32
    %div3A_33 = arith.divsi %sub3A_31, %jit3A_32 : i32
    %sign3A_34 = arith.constant 0 : i32
    %sign3A_35 = arith.cmpi sgt, %sub3A_31, %sign3A_34 : i32
    %sign3A_36 = arith.extui %sign3A_35 : i1 to i32
    %sign3A_37 = arith.constant 0 : i32
    %sign3A_38 = arith.cmpi slt, %sub3A_31, %sign3A_37 : i32
    %sign3A_39 = arith.extui %sign3A_38 : i1 to i32
    %sign3A_40 = arith.subi %sign3A_36, %sign3A_39 : i32
    %sign3A_41 = arith.constant 0 : i32
    %sign3A_42 = arith.cmpi sgt, %jit3A_32, %sign3A_41 : i32
    %sign3A_43 = arith.extui %sign3A_42 : i1 to i32
    %sign3A_44 = arith.constant 0 : i32
    %sign3A_45 = arith.cmpi slt, %jit3A_32, %sign3A_44 : i32
    %sign3A_46 = arith.extui %sign3A_45 : i1 to i32
    %sign3A_47 = arith.subi %sign3A_43, %sign3A_46 : i32
    %ne3A_48 = arith.cmpi ne, %sign3A_40, %sign3A_47 : i32
    %rem3A_49 = arith.remsi %sub3A_31, %jit3A_32 : i32
    %ne3A_50 = arith.constant 0 : i32
    %ne3A_51 = arith.cmpi ne, %rem3A_49, %ne3A_50 : i32
    %and3A_52 = arith.andi %ne3A_48, %ne3A_51 : i1
    %sub3A_53 = arith.constant 1 : i32
    %sub3A_54 = arith.subi %div3A_33, %sub3A_53 : i32
    %select_n3A_55 = arith.select %and3A_52, %sub3A_54, %div3A_33 : i32
    %while3A = arith.constant 0 : i32
    %while3A_56 = arith.constant 0 : i32
    %while3A_57 = arith.subi %select_n3A_55, %while3A : i32
    %while3A_58 = arith.addi %while3A, %while3A_57 : i32
    %while3A_59 = arith.constant 1 : i32
    %while3A_60 = arith.divsi %while3A_57, %while3A_59 : i32
    %while3A_61 = arith.muli %while3A_60, %while3A_59 : i32
    %while3A_62 = arith.addi %while3A, %while3A_61 : i32
    %while3A_63 = arith.constant 1 : i32
    %while3A_64 = scf.for %while3A_67 = %while3A to %while3A_62 step %while3A_63 iter_args(%while3A_68 = %while3A_56) -> (i32)  : i32 {
      %mul3A_69 = arith.constant 192 : i32
      %mul3A_70 = arith.muli %while3A_67, %mul3A_69 : i32
      %add3A_71 = arith.addi %mul3A_26, %mul3A_70 : i32
      %min3A_72 = arith.constant 1856 : i32
      %min3A_73 = arith.minsi %add3A_71, %min3A_72 : i32
      %get3A_74 = arith.index_cast %min3A_73 : i32 to index
      %get3A_75 = arith.constant 0 : index
      %get3A_76 = vector.load %arg2[%get3A_74, %get3A_75] : memref<2048x768xf32, #tpu.memory_space<vmem>>, vector<192x768xf32>
      %convert_element_type3A = arith.truncf %get3A_76 : vector<192x768xf32> to vector<192x768xbf16>
      %get3A_77 = arith.constant 0 : index
      %get3A_78 = arith.constant 0 : index
      %get3A_79 = arith.constant 0 : index
      %get3A_80 = vector.load %arg3[%get3A_77, %get3A_78, %get3A_79] : memref<1x1024x768xf32, #tpu.memory_space<vmem>>, vector<1x1024x768xf32>
      %get3A_81 = vector.shape_cast %get3A_80 : vector<1x1024x768xf32> to vector<1024x768xf32>
      %convert_element_type3A_82 = arith.truncf %get3A_81 : vector<1024x768xf32> to vector<1024x768xbf16>
      %dot_general3A = arith.constant dense<0.000000e+00> : vector<192x1024xf32>
      %dot_general3A_83 = tpu.matmul %convert_element_type3A, %convert_element_type3A_82, %dot_general3A {dimension_numbers = #tpu.dot_dimension_numbers<[1], [1], [0], [0], [0, 0, 1, 0], [], []>, transpose_lhs_hint = false} : vector<192x768xbf16>, vector<1024x768xbf16>, vector<192x1024xf32> -> vector<192x1024xf32>
      %get3A_84 = arith.constant 0 : index
      %get3A_85 = arith.constant 0 : index
      %get3A_86 = arith.constant 0 : index
      %get3A_87 = vector.load %arg4[%get3A_84, %get3A_85, %get3A_86] : memref<1x1x1024xf32, #tpu.memory_space<vmem>>, vector<1x1x1024xf32>
      %get3A_88 = vector.shape_cast %get3A_87 : vector<1x1x1024xf32> to vector<1x1024xf32>
      %add3A_89 = vector.broadcast %get3A_88 : vector<1x1024xf32> to vector<192x1024xf32>
      %add3A_90 = arith.addf %dot_general3A_83, %add3A_89 : vector<192x1024xf32>
      %max3A = arith.constant 0.000000e+00 : f32
      %max3A_91 = vector.broadcast %max3A : f32 to vector<192x1024xf32>
      %max3A_92 = arith.maximumf %add3A_90, %max3A_91 : vector<192x1024xf32>
      %convert_element_type3A_93 = arith.truncf %max3A_92 : vector<192x1024xf32> to vector<192x1024xbf16>
      %get3A_94 = arith.constant 0 : index
      %get3A_95 = arith.constant 0 : index
      %get3A_96 = arith.constant 0 : index
      %get3A_97 = vector.load %arg5[%get3A_94, %get3A_95, %get3A_96] : memref<1x768x1024xf32, #tpu.memory_space<vmem>>, vector<1x768x1024xf32>
      %get3A_98 = vector.shape_cast %get3A_97 : vector<1x768x1024xf32> to vector<768x1024xf32>
      %convert_element_type3A_99 = arith.truncf %get3A_98 : vector<768x1024xf32> to vector<768x1024xbf16>
      %dot_general3A_100 = arith.constant dense<0.000000e+00> : vector<192x768xf32>
      %dot_general3A_101 = tpu.matmul %convert_element_type3A_93, %convert_element_type3A_99, %dot_general3A_100 {dimension_numbers = #tpu.dot_dimension_numbers<[1], [1], [0], [0], [0, 0, 1, 0], [], []>, transpose_lhs_hint = false} : vector<192x1024xbf16>, vector<768x1024xbf16>, vector<192x768xf32> -> vector<192x768xf32>
      %get3A_102 = arith.constant 0 : index
      %get3A_103 = arith.constant 0 : index
      %get3A_104 = arith.constant 0 : index
      %get3A_105 = vector.load %arg6[%get3A_102, %get3A_103, %get3A_104] : memref<1x1x768xf32, #tpu.memory_space<vmem>>, vector<1x1x768xf32>
      %get3A_106 = vector.shape_cast %get3A_105 : vector<1x1x768xf32> to vector<1x768xf32>
      %add3A_107 = vector.broadcast %get3A_106 : vector<1x768xf32> to vector<192x768xf32>
      %add3A_108 = arith.addf %dot_general3A_101, %add3A_107 : vector<192x768xf32>
      %iota3A = tpu.iota {dimensions = array<i32: 0>} : vector<192x1xi32>
      %add3A_109 = vector.broadcast %min3A_73 : i32 to vector<192x1xi32>
      %add3A_110 = arith.addi %add3A_109, %iota3A : vector<192x1xi32>
      %get3A_111 = arith.index_cast %min3A_73 : i32 to index
      %get3A_112 = arith.constant 0 : index
      %get3A_113 = vector.load %arg7[%get3A_111, %get3A_112] : memref<2048x768xf32, #tpu.memory_space<vmem>>, vector<192x768xf32>
      %ge3A = vector.broadcast %get3A_1 : i32 to vector<192x1xi32>
      %ge3A_114 = arith.cmpi sge, %add3A_110, %ge3A : vector<192x1xi32>
      %broadcast_in_dim3A = vector.shape_cast %ge3A_114 : vector<192x1xi1> to vector<192x1xi1>
      %broadcast_in_dim3A_115 = vector.broadcast %broadcast_in_dim3A : vector<192x1xi1> to vector<192x768xi1>
      %select_n3A_116 = arith.select %broadcast_in_dim3A_115, %add3A_108, %get3A_113 : vector<192x768xi1>, vector<192x768xf32>
      %swap3A = arith.index_cast %min3A_73 : i32 to index
      %swap3A_117 = arith.constant 0 : index
      %swap3A_118 = vector.load %arg7[%swap3A, %swap3A_117] : memref<2048x768xf32, #tpu.memory_space<vmem>>, vector<192x768xf32>
      tpu.vector_store %arg7[%swap3A, %swap3A_117], %select_n3A_116 {strides = array<i32>} : memref<2048x768xf32, #tpu.memory_space<vmem>>, vector<192x768xf32>,
      %while3A_119 = arith.constant 0 : i32
      scf.yield %while3A_119 : i32
    }
    %while3A_65 = arith.constant 1 : i32
    %while3A_66 = scf.for %while3A_67 = %while3A_62 to %while3A_58 step %while3A_65 iter_args(%while3A_68 = %while3A_64) -> (i32)  : i32 {
      %mul3A_69 = arith.constant 192 : i32
      %mul3A_70 = arith.muli %while3A_67, %mul3A_69 : i32
      %add3A_71 = arith.addi %mul3A_26, %mul3A_70 : i32
      %min3A_72 = arith.constant 1856 : i32
      %min3A_73 = arith.minsi %add3A_71, %min3A_72 : i32
      %get3A_74 = arith.index_cast %min3A_73 : i32 to index
      %get3A_75 = arith.constant 0 : index
      %get3A_76 = vector.load %arg2[%get3A_74, %get3A_75] : memref<2048x768xf32, #tpu.memory_space<vmem>>, vector<192x768xf32>
      %convert_element_type3A = arith.truncf %get3A_76 : vector<192x768xf32> to vector<192x768xbf16>
      %get3A_77 = arith.constant 0 : index
      %get3A_78 = arith.constant 0 : index
      %get3A_79 = arith.constant 0 : index
      %get3A_80 = vector.load %arg3[%get3A_77, %get3A_78, %get3A_79] : memref<1x1024x768xf32, #tpu.memory_space<vmem>>, vector<1x1024x768xf32>
      %get3A_81 = vector.shape_cast %get3A_80 : vector<1x1024x768xf32> to vector<1024x768xf32>
      %convert_element_type3A_82 = arith.truncf %get3A_81 : vector<1024x768xf32> to vector<1024x768xbf16>
      %dot_general3A = arith.constant dense<0.000000e+00> : vector<192x1024xf32>
      %dot_general3A_83 = tpu.matmul %convert_element_type3A, %convert_element_type3A_82, %dot_general3A {dimension_numbers = #tpu.dot_dimension_numbers<[1], [1], [0], [0], [0, 0, 1, 0], [], []>, transpose_lhs_hint = false} : vector<192x768xbf16>, vector<1024x768xbf16>, vector<192x1024xf32> -> vector<192x1024xf32>
      %get3A_84 = arith.constant 0 : index
      %get3A_85 = arith.constant 0 : index
      %get3A_86 = arith.constant 0 : index
      %get3A_87 = vector.load %arg4[%get3A_84, %get3A_85, %get3A_86] : memref<1x1x1024xf32, #tpu.memory_space<vmem>>, vector<1x1x1024xf32>
      %get3A_88 = vector.shape_cast %get3A_87 : vector<1x1x1024xf32> to vector<1x1024xf32>
      %add3A_89 = vector.broadcast %get3A_88 : vector<1x1024xf32> to vector<192x1024xf32>
      %add3A_90 = arith.addf %dot_general3A_83, %add3A_89 : vector<192x1024xf32>
      %max3A = arith.constant 0.000000e+00 : f32
      %max3A_91 = vector.broadcast %max3A : f32 to vector<192x1024xf32>
      %max3A_92 = arith.maximumf %add3A_90, %max3A_91 : vector<192x1024xf32>
      %convert_element_type3A_93 = arith.truncf %max3A_92 : vector<192x1024xf32> to vector<192x1024xbf16>
      %get3A_94 = arith.constant 0 : index
      %get3A_95 = arith.constant 0 : index
      %get3A_96 = arith.constant 0 : index
      %get3A_97 = vector.load %arg5[%get3A_94, %get3A_95, %get3A_96] : memref<1x768x1024xf32, #tpu.memory_space<vmem>>, vector<1x768x1024xf32>
      %get3A_98 = vector.shape_cast %get3A_97 : vector<1x768x1024xf32> to vector<768x1024xf32>
      %convert_element_type3A_99 = arith.truncf %get3A_98 : vector<768x1024xf32> to vector<768x1024xbf16>
      %dot_general3A_100 = arith.constant dense<0.000000e+00> : vector<192x768xf32>
      %dot_general3A_101 = tpu.matmul %convert_element_type3A_93, %convert_element_type3A_99, %dot_general3A_100 {dimension_numbers = #tpu.dot_dimension_numbers<[1], [1], [0], [0], [0, 0, 1, 0], [], []>, transpose_lhs_hint = false} : vector<192x1024xbf16>, vector<768x1024xbf16>, vector<192x768xf32> -> vector<192x768xf32>
      %get3A_102 = arith.constant 0 : index
      %get3A_103 = arith.constant 0 : index
      %get3A_104 = arith.constant 0 : index
      %get3A_105 = vector.load %arg6[%get3A_102, %get3A_103, %get3A_104] : memref<1x1x768xf32, #tpu.memory_space<vmem>>, vector<1x1x768xf32>
      %get3A_106 = vector.shape_cast %get3A_105 : vector<1x1x768xf32> to vector<1x768xf32>
      %add3A_107 = vector.broadcast %get3A_106 : vector<1x768xf32> to vector<192x768xf32>
      %add3A_108 = arith.addf %dot_general3A_101, %add3A_107 : vector<192x768xf32>
      %iota3A = tpu.iota {dimensions = array<i32: 0>} : vector<192x1xi32>
      %add3A_109 = vector.broadcast %min3A_73 : i32 to vector<192x1xi32>
      %add3A_110 = arith.addi %add3A_109, %iota3A : vector<192x1xi32>
      %get3A_111 = arith.index_cast %min3A_73 : i32 to index
      %get3A_112 = arith.constant 0 : index
      %get3A_113 = vector.load %arg7[%get3A_111, %get3A_112] : memref<2048x768xf32, #tpu.memory_space<vmem>>, vector<192x768xf32>
      %ge3A = vector.broadcast %get3A_1 : i32 to vector<192x1xi32>
      %ge3A_114 = arith.cmpi sge, %add3A_110, %ge3A : vector<192x1xi32>
      %broadcast_in_dim3A = vector.shape_cast %ge3A_114 : vector<192x1xi1> to vector<192x1xi1>
      %broadcast_in_dim3A_115 = vector.broadcast %broadcast_in_dim3A : vector<192x1xi1> to vector<192x768xi1>
      %select_n3A_116 = arith.select %broadcast_in_dim3A_115, %add3A_108, %get3A_113 : vector<192x768xi1>, vector<192x768xf32>
      %swap3A = arith.index_cast %min3A_73 : i32 to index
      %swap3A_117 = arith.constant 0 : index
      %swap3A_118 = vector.load %arg7[%swap3A, %swap3A_117] : memref<2048x768xf32, #tpu.memory_space<vmem>>, vector<192x768xf32>
      tpu.vector_store %arg7[%swap3A, %swap3A_117], %select_n3A_116 {strides = array<i32>} : memref<2048x768xf32, #tpu.memory_space<vmem>>, vector<192x768xf32>,
      %while3A_119 = arith.constant 0 : i32
      scf.yield %while3A_119 : i32
    }
    return
  }
  func.func @transform_0(%arg0: i32, %arg1: memref<1x16xi32, #tpu.memory_space<smem>>) -> (i32, i32) {
    %c0_i32 = arith.constant 0 : i32
    %c0_i32_0 = arith.constant 0 : i32
    %c0_i32_1 = arith.constant 0 : i32
    return %c0_i32, %c0_i32_0 : i32, i32
  }
  func.func @transform_1(%arg0: i32, %arg1: memref<1x16xi32, #tpu.memory_space<smem>>) -> (i32, i32, i32) {
    %c0_i32 = arith.constant 0 : i32
    %c0_i32_0 = arith.constant 0 : i32
    %c0_i32_1 = arith.constant 0 : i32
    return %arg0, %c0_i32, %c0_i32_0 : i32, i32, i32
  }
  func.func @transform_2(%arg0: i32, %arg1: memref<1x16xi32, #tpu.memory_space<smem>>) -> (i32, i32, i32) {
    %c0_i32 = arith.constant 0 : i32
    %c0_i32_0 = arith.constant 0 : i32
    %c0_i32_1 = arith.constant 0 : i32
    return %arg0, %c0_i32, %c0_i32_0 : i32, i32, i32
  }
  func.func @transform_3(%arg0: i32, %arg1: memref<1x16xi32, #tpu.memory_space<smem>>) -> (i32, i32, i32) {
    %c0_i32 = arith.constant 0 : i32
    %c0_i32_0 = arith.constant 0 : i32
    %c0_i32_1 = arith.constant 0 : i32
    return %arg0, %c0_i32, %c0_i32_0 : i32, i32, i32
  }
  func.func @transform_4(%arg0: i32, %arg1: memref<1x16xi32, #tpu.memory_space<smem>>) -> (i32, i32, i32) {
    %c0_i32 = arith.constant 0 : i32
    %c0_i32_0 = arith.constant 0 : i32
    %c0_i32_1 = arith.constant 0 : i32
    return %arg0, %c0_i32, %c0_i32_0 : i32, i32, i32
  }
  func.func @transform_5(%arg0: i32, %arg1: memref<1x16xi32, #tpu.memory_space<smem>>) -> (i32, i32) {
    %c0_i32 = arith.constant 0 : i32
    %c0_i32_0 = arith.constant 0 : i32
    %c0_i32_1 = arith.constant 0 : i32
    return %c0_i32, %c0_i32_0 : i32, i32
  }
}

</mosaic_0001>

<sc_bundles>
// kernel: kernel.6.cloned.1.call-start
scs
__scs_entry_jumppad:
0x0: {  	(pc) =	sbr.rel $0x88, $3  }
0x1: {  	(tag) =	ssettag $0x0;
	lr =	simm.s32 $0x1  }
0x2: {  	[smem:$0x3F9A] =	sst lr;
	_ =	strace $0xD0000000  }
0x3: {  	_ = 	snop  }
0x4: {  	_ = 	snop  }
0x5: {  	_ = 	snop  }
0x6: {  	_ = 	snop  }
0x7: {  	_ = 	snop  }
__scs_overlays_trampoline_lowered:
0x8: {  	[smem:$0x3FA9] =	sst s0  }
0x9: {  	[smem:$0x3FAA] =	sst s1  }
0xa: {  	[smem:$0x3FAB] =	sst s2  }
0xb: {  	[smem:$0x3FAC] =	sst s3  }
0xc: {  	[smem:$0x3FAD] =	sst s4  }
0xd: {  	[smem:$0x3FAE] =	sst s5  }
0xe: {  	[smem:$0x3FAF] =	sst s6  }
0xf: {  	[smem:$0x3FB0] =	sst s7  }
0x10: {  	[smem:$0x3FB1] =	sst s8  }
0x11: {  	[smem:$0x3FB2] =	sst s9;
	s0 =	simm.s32 @!p0 $0x0  }
0x12: {  	s1 =	sld [smem:$0x3F98];
	s0 =	simm.s32 @p0 $0x1  }
0x13: {  	[smem:$0x3FB3] =	sst s0;
	s0 =	simm.s32 @!p1 $0x0  }
0x14: {  	s2 =	sld [smem:$0x3F97];
	s0 =	simm.s32 @p1 $0x1  }
0x15: {  	[smem:$0x3FB4] =	sst s0;
	s0 =	simm.s32 @!p2 $0x0  }
0x16: {  	s3 =	sld [smem:$0x3FDB];
	s0 =	simm.s32 @p2 $0x1  }
0x17: {  	s4 =	simm.s32 $0x1BF5;
	[smem:$0x3FB6] =	sst s0  }
0x18: {  	s0 =	sld [smem:$0x3F99];
	_ =	swait.ge [sflag:s4], $0x0  }
0x19: {  	s7 =	sld [smem:$0x3F9A]  }
0x1a: {  	s8 =	sadd.s32 $0xFFFFE003, lr  }
0x1b: {  	s9 =	sadd.s32 $0xFFFFFEF7, lr;
	s5 =	simm.s32 $0xFFFFFFFF;
	p2 =	slt.u32 s8, $0xFFFFF086  }
0x1c: {  	p1 =	slt.u32 s9, $0xF7A;
	s5 =	simm.s32 @!p2 $0x0  }
0x1d: {  	s5 =	simm.s32 @p1 $0x1;
	p0 =	seq.s32 s7, s2  }
0x1e: {  	s7 =	smul.u32 @!p0 $0xF7A, s2;
	p2 =	seq.s32 @!p0 s5, $0x0  }
0x1f: {  	s9 =	smul.u32 $0xF7A, s1;
	s8 =	simm.s32 @!p0 $0x1BF5;
	p2 =	por !p2, p0  }
0x20: {  	[sflag:s8] =	ssyncset.s32 @!p0 $0xFFFFF086;
	s6 =	sadd.s32 @!p0 s3, s7;
	s7 =	simm.s32 @!p0 $0x108  }
0x21: {  	s3 =	sadd.s32 s3, s9;
	s6 =	sadd.s32 @!p0 $0x88, s6;
	s7 =	simm.s32 @p2 $0x1082  }
0x22: {  	[simem:s7], [sflag:s8] =	dma.local @!p0 [hbm:s6], $0xF7A  }
0x23: {  	s9 =	sor.u32 $0xD0000000, s2;
	s6 =	simm.s32 $0x108;
	_ =	swait.ge @!p0 [sflag:s8], $0x0  }
0x24: {  	s3 =	sadd.s32 $0x88, s3;
	s6 =	simm.s32 @!p1 $0x1082;
	[sflag:s4] =	ssyncset.s32 $0xFFFFF086  }
0x25: {  	[simem:s6], [sflag:s4] =	dma.local [hbm:s3], $0xF7A  }
0x26: {  	[smem:$0x3F9A] =	sst s1;
	(tag) =	ssettag s2;
	_ =	strace s9  }
0x27: {  	s1 =	sld [smem:$0x3FAA]  }
0x28: {  	s2 =	sld [smem:$0x3FAB]  }
0x29: {  	s4 =	sld [smem:$0x3FAD]  }
0x2a: {  	p0 =	seq.s32 s5, $0x0;
	s5 =	sld [smem:$0x3FAE]  }
0x2b: {  	s6 =	sld [smem:$0x3FAF]  }
0x2c: {  	s7 =	sld [smem:$0x3FB0]  }
0x2d: {  	s3 =	simm.s32 $0x108;
	s8 =	sld [smem:$0x3FB1]  }
0x2e: {  	s3 =	simm.s32 @!p0 $0x1082;
	s9 =	sld [smem:$0x3FB2]  }
0x2f: {  	lr =	sadd.s32 s0, s3;
	s0 =	sld [smem:$0x3FA9]  }
0x30: {  	s3 =	sld [smem:$0x3FAC]  }
0x31: {  	[smem:$0x3FB5] =	sst s10  }
0x32: {  	s10 =	sld [smem:$0x3FB3];
	_ =	sdelay $0x3  }
0x33: {  	p0 =	seq.s32 s10, $0x1;
	s10 =	sld [smem:$0x3FB5];
	_ =	sdelay $0x3  }
0x34: {  	[smem:$0x3FB5] =	sst s10  }
0x35: {  	s10 =	sld [smem:$0x3FB4];
	_ =	sdelay $0x3  }
0x36: {  	p1 =	seq.s32 s10, $0x1;
	s10 =	sld [smem:$0x3FB5];
	_ =	sdelay $0x3  }
0x37: {  	[smem:$0x3FB5] =	sst s10  }
0x38: {  	s10 =	sld [smem:$0x3FB6]  }
0x39: {  	_ = 	snop;
	(pc) =	sbr.ind lr, $3  }
0x3a: {  	_ = 	snop  }
0x3b: {  	_ = 	snop  }
0x3c: {  	p2 =	seq.s32 s10, $0x1;
	s10 =	sld [smem:$0x3FB5]  }
0x3d: {  	_ =	shalt  }
0x3e: {  	_ =	shalt  }
0x3f: {  	_ =	shalt  }
0x40: {  	_ =	shalt  }
0x41: {  	_ =	shalt  }
0x42: {  	_ =	shalt  }
0x43: {  	_ =	shalt  }
0x44: {  	_ =	shalt  }
0x45: {  	_ =	shalt  }
0x46: {  	_ =	shalt  }
0x47: {  	_ =	shalt  }
0x48: {  	_ =	shalt  }
0x49: {  	_ =	shalt  }
0x4a: {  	_ =	shalt  }
0x4b: {  	_ =	shalt  }
0x4c: {  	_ =	shalt  }
0x4d: {  	_ =	shalt  }
0x4e: {  	_ =	shalt  }
0x4f: {  	_ =	shalt  }
0x50: {  	_ =	shalt  }
0x51: {  	_ =	shalt  }
0x52: {  	_ =	shalt  }
0x53: {  	_ =	shalt  }
0x54: {  	_ =	shalt  }
0x55: {  	_ =	shalt  }
0x56: {  	_ =	shalt  }
0x57: {  	_ =	shalt  }
0x58: {  	_ =	shalt  }
0x59: {  	_ =	shalt  }
0x5a: {  	_ =	shalt  }
0x5b: {  	_ =	shalt  }
0x5c: {  	_ =	shalt  }
0x5d: {  	_ =	shalt  }
0x5e: {  	_ =	shalt  }
0x5f: {  	_ =	shalt  }
0x60: {  	_ =	shalt  }
0x61: {  	_ =	shalt  }
0x62: {  	_ =	shalt  }
0x63: {  	_ =	shalt  }
0x64: {  	_ =	shalt  }
0x65: {  	_ =	shalt  }
0x66: {  	_ =	shalt  }
0x67: {  	_ =	shalt  }
0x68: {  	_ =	shalt  }
0x69: {  	_ =	shalt  }
0x6a: {  	_ =	shalt  }
0x6b: {  	_ =	shalt  }
0x6c: {  	_ =	shalt  }
0x6d: {  	_ =	shalt  }
0x6e: {  	_ =	shalt  }
0x6f: {  	_ =	shalt  }
0x70: {  	_ =	shalt  }
0x71: {  	_ =	shalt  }
0x72: {  	_ =	shalt  }
0x73: {  	_ =	shalt  }
0x74: {  	_ =	shalt  }
0x75: {  	_ =	shalt  }
0x76: {  	_ =	shalt  }
0x77: {  	_ =	shalt  }
0x78: {  	_ =	shalt  }
0x79: {  	_ =	shalt  }
0x7a: {  	_ =	shalt  }
0x7b: {  	_ =	shalt  }
0x7c: {  	_ =	shalt  }
0x7d: {  	_ =	shalt  }
0x7e: {  	_ =	shalt  }
0x7f: {  	_ =	shalt  }
0x80: {  	_ =	shalt  }
0x81: {  	_ =	shalt  }
0x82: {  	_ =	shalt  }
0x83: {  	_ =	shalt  }
0x84: {  	_ =	shalt  }
0x85: {  	_ =	shalt  }
0x86: {  	_ =	shalt  }
0x87: {  	_ =	shalt  }
.Lfunc_end0:
.L_simem_size_0:
called_computation_lowered:
.L_overlay_start_0:
0x88: {  	s2 =	sld [smem:$0x3FD9]  }
0x89: {  	s3 =	sld [smem:$0x3FFE];
	_ =	sdelay $0x1  }
0x8a: {  	s1 =	srdreg.scid  }
0x8b: {  	s0 =	sand.u32 $0x1, s1  }
0x8c: {  	s17 =	sshll.u32 s0, $0xA;
	s2 =	sadd.s32 s3, s2  }
0x8d: {  	s2 =	sadd.s32 s2, s17  }
0x8e: {  	[smem:$0x3FC1] =	sst s2  }
0x8f: {  	_ = 	snop  }
0x90: {  	s2 =	sld [smem:$0x3FC9]  }
0x91: {  	s18 =	sld [smem:$0x3FD0];
	(tm) =	ssettm $0x1  }
0x92: {  	s4 =	sld [smem:$0x3FFB];
	_ =	sdelay $0x3  }
0x93: {  	_ =	strace s4  }
0x94: {  	s4 =	sld [smem:$0x3FFC];
	_ =	sdelay $0x3  }
0x95: {  	_ =	strace s4  }
0x96: {  	s4 =	sld [smem:$0x3FFD];
	_ =	sdelay $0x3  }
0x97: {  	_ =	strace s4  }
0x98: {  	_ =	strace $0x8FFFFFFF  }
0x99: {  	s19 =	sld [smem:$0x3FDB];
	_ =	sdelay $0x1  }
0x9a: {  	s5 =	simm.s32 $_scs_section_size  }
0x9b: {  	s6 =	simm.s32 $_size__tile_overlayer_lowered;
	s7 =	simm.s32 $_tile_overlayer_lowered  }
0x9c: {  	s22 =	simm.s32 $0x1BFF;
	s21 =	sshll.u32 s7, $0x1;
	s4 =	sadd.s32 s5, s19  }
0x9d: {  	s8 =	simm.s32 $0x0;
	s20 =	sshll.u32 s6, $0x1;
	s6 =	sadd.s32 s21, s4  }
0x9e: {  	[timem:s8], [sflag:s22] =	dma.local [hbm:s6], s20  }
0x9f: {  	_ =	swait.ge [sflag:s22], s20  }
0xa0: {  	s5 =	ssub.s32 $0x0, s20;
	[sflag:s22] =	ssyncset.done $0x0  }
0xa1: {  	[sflag:s22] =	ssyncadd.s32 s5;
	_ =	sdelay $0x1  }
0xa2: {  	s23 =	simm.s32 $0x1B8B  }
0xa3: {  	_ =	swait.ge [sflag:s23], $0x1  }
0xa4: {  	[sflag:s23] =	ssyncset.done $0x0  }
0xa5: {  	s25 =	simm.s32 $0x1B8E;
	s24 =	sld [smem:$0x3FFE];
	[sflag:s23] =	ssyncadd.s32 $0xFFFFFFFF  }
0xa6: {  	s26 =	simm.s32 $execute0_lowered;
	[smem:$0x3FD2] =	sst s25  }
0xa7: {  	s6 =	sshll.u32 s26, $0x1;
	_ =	strace $0x80000046;
	[dreg:$0x1] =	wrdreg $0xFFFFFFFF  }
0xa8: {  	s28 =	simm.s32 $_size_execute0_lowered;
	s4 =	sadd.s32 s4, s6;
	[dreg:$0x0] =	wrdreg $0x0  }
0xa9: {  	s6 =	sshll.u32 s28, $0x1;
	[dreg:$0x2] =	wrdreg s4  }
0xaa: {  	[dreg:$0x3] =	wrdreg s6  }
0xab: {  	[dreg:$0x4] =	wrdreg $0xC0  }
0xac: {  	_ =	task [dreg:s8], $0x5FFFF  }
0xad: {  	[dreg:$0x1] =	wrdreg $0xFFFFFFFF  }
0xae: {  	[dreg:$0x0] =	wrdreg $0x60  }
0xaf: {  	[dreg:$0x2] =	wrdreg s2  }
0xb0: {  	[dreg:$0x3] =	wrdreg s24  }
0xb1: {  	[dreg:$0x4] =	wrdreg s18  }
0xb2: {  	[dreg:$0x5] =	wrdreg $0x9  }
0xb3: {  	_ =	task.clear_ibuf [dreg:s8], $0x6FFFF;
	_ =	strace $0x90000046  }
0xb4: {  	s29 =	simm.s32 $0x9;
	_ =	strace $0x80000048  }
0xb5: {  	_ =	swait.ge [sflag:s29], $0x1  }
0xb6: {  	[sflag:s29] =	ssyncadd.s32 $0xFFFFFFFF  }
0xb7: {  	_ =	strace $0x90000048  }
0xb8: {  	_ =	sfence  }
0xb9: {  	s30 =	sld [smem:$0x0];
	_ =	sdelay $0x2  }
0xba: {  	s31 =	sshll.u32 s1, $0xD;
	s1 =	sshrl.u32 s1, $0x2  }
0xbb: {  	s3 =	sand.u32 $0x4000, s31;
	s1 =	sadd.s32 s1, s30  }
0xbc: {  	s0 =	sor.u32 s3, s0;
	s1 =	sshll.u32 s1, $0x11  }
0xbd: {  	s0 =	sor.u32 s1, s0  }
0xbe: {  	s0 =	sadd.s32 $0x8F2B, s0  }
0xbf: {  	[sflag:s0] =	ssyncadd.remote.s32 $0x1  }
0xc0: {  	_ =	sfence.sel $0xFFFF  }
0xc1: {  	[dreg:$0x0] =	wrdreg $0xFFFFFFFF;
	(pc) =	sbr.abs _section_cstart, $3  }
0xc2: {  	[dreg:$0x1] =	wrdreg $0xFFFFFFFF  }
0xc3: {  	_ =	task.clear_ibuf [dreg:s8], $0x2FFFF;
	_ =	strace $0x9FFFFFFF  }
0xc4: {  	(tm) =	ssettm $0x7FFFFFFF  }
0xc5: {  	_ =	shalt  }
tec
execute0_lowered:
.L_overlay_start_1:
0x0: {  	(tag) =	ssettag $0x1  }
0x1: {  	s1 =	srdreg.scid;
	s5 =	rddreg [dreg:$0x0]  }
0x2: {  	s0 =	stileid.u32;
	s4 =	rddreg [dreg:$0x1]  }
0x3: {  	s2 =	rddreg [dreg:$0x2];
	s9 =	simm.s32 $0x80;
	s24 =	simm.s32 $0x880  }
0x4: {  	s10 =	simm.s32 $0x3080;
	s25 =	simm.s32 $0x1080;
	s11 =	simm.s32 $0x6080  }
0x5: {  	s26 =	simm.s32 $0x1880;
	s12 =	simm.s32 $0x9080;
	s13 =	simm.s32 $0x1  }
0x6: {  	s15 =	simm.s32 $0x2880;
	s16 =	simm.s32 $0x3880;
	s17 =	simm.s32 $0x4080  }
0x7: {  	s18 =	simm.s32 $0x4880;
	s19 =	simm.s32 $0x5080;
	s28 =	simm.s32 $0xA080  }
0x8: {  	s29 =	simm.s32 $0xA880;
	s30 =	simm.s32 $0xB080;
	s1 =	sand.u32 $0x1, s1  }
0x9: {  	s31 =	simm.s32 $0xB880;
	s3 =	sshll.u32 s0, $0x4;
	s6 =	sshll.u32 s1, $0x3  }
0xa: {  	s1 =	ssub.s32 $0x2, s1;
	s6 =	sor.u32 s6, s3;
	s3 =	simm.s32 $0x0  }
0xb: {  	s23 =	sshrl.u32 s1, $0x1;
	s7 =	smul.u32 $0x300, s6;
	[smem:$0x7FF] =	sst s3  }
0xc: {  	s8 =	smul.u32 $0x1800, s6;
	_ =	strace $0x80000047;
	[dreg:$0x8] =	wrdreg s24  }
0xd: {  	s4 =	sadd.s32 s6, s4;
	s1 =	ssub.s32 s1, s23;
	[dreg:$0x9] =	wrdreg s25  }
0xe: {  	s23 =	simm.s32 $0x7880;
	s6 =	sadd.s32 $0x1A00, s4;
	[dreg:$0xa] =	wrdreg s26  }
0xf: {  	s24 =	simm.s32 $0x8080;
	s25 =	simm.s32 $0x8880;
	s26 =	simm.s32 $0x9880  }
0x10: {  	s4 =	sadd.s32 s5, s7;
	s20 =	sshrl.u32 s8, $0x3;
	[dreg:$0x4] =	wrdreg s6  }
0x11: {  	s6 =	sadd.s32 $0x200, s2;
	s7 =	smax.u32 s1, $0x1;
	s8 =	simm.s32 $0x3  }
0x12: {  	s1 =	simm.s32 $0x2;
	s21 =	sadd.s32 $0x600, s4;
	s5 =	sadd.s32 s5, s20  }
0x13: {  	v2 =	vlaneseq.u32;
	s20 =	simm.s32 $0x5880;
	[dreg:$0x5] =	wrdreg s21;
	s22 =	sadd.s32 $0xC00, s5  }
0x14: {  	vm0 =	vmmov $0xffff;
	v1 =	vshrl.u32 v2, $0x3;
	s5 =	sadd.s32 $0x1200, s5;
	s21 =	simm.s32 $0x6880;
	[dreg:$0x6] =	wrdreg s22  }
0x15: {  	v0 =	vand.u32 $0x7, v2;
	v2 =	vor.u32 $0x8, v2;
	v1 =	vmul.u32 $0x8, v1;
	[dreg:$0x7] =	wrdreg s5;
	s5 =	sadd.s32 $0x100, s2;
	s22 =	simm.s32 $0x7080  }
.LBB2_1:
0x16: {  	s0 =	rddreg [dreg:$0x4]  }
0x17: {  	[tilespmem:s3], [sflag:$0x3] =	stream.linear.gather [hbm4b:s0+s3], $0x40, $0x38;
	[tilespmem:$0xC080] =	vst v63  }
0x18: {  	_ =	swait.ge [sflag:s8], $0x40  }
0x19: {  	[sflag:s8] =	ssyncset.done $0x0  }
0x1a: {  	[sflag:s8] =	ssyncadd.s32 $0xFFFFFFC0  }
0x1b: {  	[tilespmem:s9], [sflag:$0x1] =	stream.linear.gather [hbm4b:s4+s3], $0x3000, $0x38;
	[tilespmem:$0xC080] =	vst v63  }
0x1c: {  	s0 =	rddreg [dreg:$0x5]  }
0x1d: {  	[tilespmem:s10], [sflag:$0x1] =	stream.linear.gather [hbm4b:s0+s3], $0x3000, $0x38;
	[tilespmem:$0xC080] =	vst v63  }
0x1e: {  	s14 =	rddreg [dreg:$0x6]  }
0x1f: {  	[tilespmem:s11], [sflag:$0x1] =	stream.linear.gather [hbm4b:s14+s3], $0x3000, $0x38;
	[tilespmem:$0xC080] =	vst v63  }
0x20: {  	s0 =	rddreg [dreg:$0x7]  }
0x21: {  	[tilespmem:s12], [sflag:$0x1] =	stream.linear.gather [hbm4b:s0+s3], $0x3000, $0x38;
	[tilespmem:$0xC080] =	vst v63  }
0x22: {  	_ =	swait.ge [sflag:s13], $0x3000  }
0x23: {  	[sflag:s13] =	ssyncset.done $0x0  }
0x24: {  	[sflag:s13] =	ssyncadd.s32 $0xFFFFD000  }
0x25: {  	v3 =	vld [tilespmem:$0x0];
	_ =	sdelay $0x4  }
0x26: {  	v4 =	vshrl.u32 v3, $0x3  }
0x27: {  	v4 =	vmul.u32 $0x30, v4  }
0x28: {  	v3 =	vand.u32 $0x7, v3  }
0x29: {  	v3 =	vor.u32 v3, v4  }
0x2a: {  	v4 =	vperm.xlane v3, v0;
	_ =	sdelay $0x1  }
0x2b: {  	v4 =	vadd.s32 v1, v4;
	_ =	sdelay $0x3  }
0x2c: {  	v3 =	vperm.xlane v3, v2  }
0x2d: {  	[hbm4b:s2+s3] =	stream.indirect_vreg.scatter [tilespmem:s9], [sflag:$0x2], $0x80, v4, vm0, $0xb8;
	[tilespmem:$0xC080] =	vst v63  }
0x2e: {  	s0 =	rddreg [dreg:$0x8];
	v3 =	vadd.s32 v1, v3  }
0x2f: {  	[hbm4b:s5+s3] =	stream.indirect_vreg.scatter [tilespmem:s0], [sflag:$0x2], $0x80, v4, vm0, $0xb8;
	[tilespmem:$0xC080] =	vst v63  }
0x30: {  	s14 =	rddreg [dreg:$0x9]  }
0x31: {  	[hbm4b:s6+s3] =	stream.indirect_vreg.scatter [tilespmem:s14], [sflag:$0x2], $0x80, v4, vm0, $0xb8;
	[tilespmem:$0xC080] =	vst v63  }
0x32: {  	s0 =	rddreg [dreg:$0xa]  }
0x33: {  	[hbm4b:s2+s3] =	stream.indirect_vreg.scatter [tilespmem:s0], [sflag:$0x2], $0x80, v3, vm0, $0xb8;
	[tilespmem:$0xC080] =	vst v63  }
0x34: {  	s14 =	simm.s32 $0x2080  }
0x35: {  	[hbm4b:s5+s3] =	stream.indirect_vreg.scatter [tilespmem:s14], [sflag:$0x2], $0x80, v3, vm0, $0xb8;
	[tilespmem:$0xC080] =	vst v63  }
0x36: {  	_ = 	snop  }
0x37: {  	[hbm4b:s6+s3] =	stream.indirect_vreg.scatter [tilespmem:s15], [sflag:$0x2], $0x80, v3, vm0, $0xb8;
	[tilespmem:$0xC080] =	vst v63  }
0x38: {  	_ =	swait.ge [sflag:s13], $0x3000  }
0x39: {  	[sflag:s13] =	ssyncset.done $0x0  }
0x3a: {  	[sflag:s13] =	ssyncadd.s32 $0xFFFFD000  }
0x3b: {  	v3 =	vld [tilespmem:$0x10];
	_ =	sdelay $0x4  }
0x3c: {  	v61 =	vshrl.u32 v3, $0x3  }
0x3d: {  	v4 =	vmul.u32 $0x30, v61  }
0x3e: {  	v3 =	vand.u32 $0x7, v3  }
0x3f: {  	v3 =	vor.u32 v3, v4  }
0x40: {  	v4 =	vperm.xlane v3, v0;
	_ =	sdelay $0x1  }
0x41: {  	v4 =	vadd.s32 v1, v4;
	_ =	sdelay $0x3  }
0x42: {  	v3 =	vperm.xlane v3, v2  }
0x43: {  	[hbm4b:s2+s3] =	stream.indirect_vreg.scatter [tilespmem:s10], [sflag:$0x2], $0x80, v4, vm0, $0xb8;
	[tilespmem:$0xC080] =	vst v63  }
0x44: {  	v3 =	vadd.s32 v1, v3  }
0x45: {  	[hbm4b:s5+s3] =	stream.indirect_vreg.scatter [tilespmem:s16], [sflag:$0x2], $0x80, v4, vm0, $0xb8;
	[tilespmem:$0xC080] =	vst v63  }
0x46: {  	_ = 	snop  }
0x47: {  	[hbm4b:s6+s3] =	stream.indirect_vreg.scatter [tilespmem:s17], [sflag:$0x2], $0x80, v4, vm0, $0xb8;
	[tilespmem:$0xC080] =	vst v63  }
0x48: {  	_ = 	snop  }
0x49: {  	[hbm4b:s2+s3] =	stream.indirect_vreg.scatter [tilespmem:s18], [sflag:$0x2], $0x80, v3, vm0, $0xb8;
	[tilespmem:$0xC080] =	vst v63  }
0x4a: {  	_ = 	snop  }
0x4b: {  	[hbm4b:s5+s3] =	stream.indirect_vreg.scatter [tilespmem:s19], [sflag:$0x2], $0x80, v3, vm0, $0xb8;
	[tilespmem:$0xC080] =	vst v63  }
0x4c: {  	_ = 	snop  }
0x4d: {  	[hbm4b:s6+s3] =	stream.indirect_vreg.scatter [tilespmem:s20], [sflag:$0x2], $0x80, v3, vm0, $0xb8;
	[tilespmem:$0xC080] =	vst v63  }
0x4e: {  	_ =	swait.ge [sflag:s13], $0x3000  }
0x4f: {  	[sflag:s13] =	ssyncset.done $0x0  }
0x50: {  	[sflag:s13] =	ssyncadd.s32 $0xFFFFD000  }
0x51: {  	v3 =	vld [tilespmem:$0x20];
	_ =	sdelay $0x4  }
0x52: {  	v62 =	vshrl.u32 v3, $0x3  }
0x53: {  	v4 =	vmul.u32 $0x30, v62  }
0x54: {  	v3 =	vand.u32 $0x7, v3  }
0x55: {  	v3 =	vor.u32 v3, v4  }
0x56: {  	v4 =	vperm.xlane v3, v0;
	_ =	sdelay $0x1  }
0x57: {  	v4 =	vadd.s32 v1, v4;
	_ =	sdelay $0x3  }
0x58: {  	v3 =	vperm.xlane v3, v2  }
0x59: {  	[hbm4b:s2+s3] =	stream.indirect_vreg.scatter [tilespmem:s11], [sflag:$0x2], $0x80, v4, vm0, $0xb8;
	[tilespmem:$0xC080] =	vst v63  }
0x5a: {  	v3 =	vadd.s32 v1, v3  }
0x5b: {  	[hbm4b:s5+s3] =	stream.indirect_vreg.scatter [tilespmem:s21], [sflag:$0x2], $0x80, v4, vm0, $0xb8;
	[tilespmem:$0xC080] =	vst v63  }
0x5c: {  	_ = 	snop  }
0x5d: {  	[hbm4b:s6+s3] =	stream.indirect_vreg.scatter [tilespmem:s22], [sflag:$0x2], $0x80, v4, vm0, $0xb8;
	[tilespmem:$0xC080] =	vst v63  }
0x5e: {  	_ = 	snop  }
0x5f: {  	[hbm4b:s2+s3] =	stream.indirect_vreg.scatter [tilespmem:s23], [sflag:$0x2], $0x80, v3, vm0, $0xb8;
	[tilespmem:$0xC080] =	vst v63  }
0x60: {  	_ = 	snop  }
0x61: {  	[hbm4b:s5+s3] =	stream.indirect_vreg.scatter [tilespmem:s24], [sflag:$0x2], $0x80, v3, vm0, $0xb8;
	[tilespmem:$0xC080] =	vst v63  }
0x62: {  	_ = 	snop  }
0x63: {  	[hbm4b:s6+s3] =	stream.indirect_vreg.scatter [tilespmem:s25], [sflag:$0x2], $0x80, v3, vm0, $0xb8;
	[tilespmem:$0xC080] =	vst v63  }
0x64: {  	_ =	swait.ge [sflag:s13], $0x3000  }
0x65: {  	[sflag:s13] =	ssyncset.done $0x0  }
0x66: {  	[sflag:s13] =	ssyncadd.s32 $0xFFFFD000  }
0x67: {  	v3 =	vld [tilespmem:$0x30];
	_ =	sdelay $0x4  }
0x68: {  	v63 =	vshrl.u32 v3, $0x3  }
0x69: {  	v4 =	vmul.u32 $0x30, v63  }
0x6a: {  	v3 =	vand.u32 $0x7, v3  }
0x6b: {  	v3 =	vor.u32 v3, v4  }
0x6c: {  	v4 =	vperm.xlane v3, v0;
	_ =	sdelay $0x1  }
0x6d: {  	v4 =	vadd.s32 v1, v4;
	_ =	sdelay $0x3  }
0x6e: {  	v3 =	vperm.xlane v3, v2  }
0x6f: {  	[hbm4b:s2+s3] =	stream.indirect_vreg.scatter [tilespmem:s12], [sflag:$0x2], $0x80, v4, vm0, $0xb8;
	[tilespmem:$0xC080] =	vst v63  }
0x70: {  	v3 =	vadd.s32 v1, v3  }
0x71: {  	[hbm4b:s5+s3] =	stream.indirect_vreg.scatter [tilespmem:s26], [sflag:$0x2], $0x80, v4, vm0, $0xb8;
	[tilespmem:$0xC080] =	vst v63  }
0x72: {  	_ = 	snop  }
0x73: {  	[hbm4b:s6+s3] =	stream.indirect_vreg.scatter [tilespmem:s28], [sflag:$0x2], $0x80, v4, vm0, $0xb8;
	[tilespmem:$0xC080] =	vst v63  }
0x74: {  	_ = 	snop  }
0x75: {  	[hbm4b:s2+s3] =	stream.indirect_vreg.scatter [tilespmem:s29], [sflag:$0x2], $0x80, v3, vm0, $0xb8;
	[tilespmem:$0xC080] =	vst v63  }
0x76: {  	_ = 	snop  }
0x77: {  	[hbm4b:s5+s3] =	stream.indirect_vreg.scatter [tilespmem:s30], [sflag:$0x2], $0x80, v3, vm0, $0xb8;
	[tilespmem:$0xC080] =	vst v63  }
0x78: {  	_ = 	snop  }
0x79: {  	[hbm4b:s6+s3] =	stream.indirect_vreg.scatter [tilespmem:s31], [sflag:$0x2], $0x80, v3, vm0, $0xb8;
	[tilespmem:$0xC080] =	vst v63  }
0x7a: {  	_ =	swait.ge [sflag:s1], $0x3000  }
0x7b: {  	[sflag:s1] =	ssyncset.done $0x0  }
0x7c: {  	[sflag:s1] =	ssyncadd.s32 $0xFFFFD000  }
0x7d: {  	_ =	swait.ge [sflag:s1], $0x3000  }
0x7e: {  	[sflag:s1] =	ssyncset.done $0x0  }
0x7f: {  	[sflag:s1] =	ssyncadd.s32 $0xFFFFD000  }
0x80: {  	p0 =	sne.s32 s7, $0x1;
	_ =	swait.ge [sflag:s1], $0x3000  }
.Ltmp0:
0x81: {  	[sflag:s1] =	ssyncset.done $0x0;
	(pc) =	sbr.rel @p0 .LBB2_1-.Ltmp0, $4  }
0x82: {  	[sflag:s1] =	ssyncadd.s32 $0xFFFFD000  }
0x83: {  	_ =	swait.ge [sflag:s1], $0x3000  }
0x84: {  	[sflag:s1] =	ssyncset.done $0x0  }
0x85: {  	s7 =	sadd.s32 $0xFFFFFFFF, s7;
	[sflag:s1] =	ssyncadd.s32 $0xFFFFD000  }
0x86: {  	_ =	sfence.sel $0x180000  }
0x87: {  	[bflag:$0x0] =	sbarrier.arrive $0xFFFF  }
0x88: {  	_ =	strace $0x90000047  }
0x89: {  	s0 =	stileid.u32;
	[bflag:$0x2] =	sbarrier.arrive $0xFFFF  }
0x8a: {  	p0 =	sne.s32 s0, $0x0;
	s0 =	rddreg [dreg:$0x3]  }
0x8b: {  	s0 =	sadd.s32 @!p0 $0x100000, s0  }
0x8c: {  	[sflag:s0] =	ssyncadd.tile.s32 @!p0 $0x1;
	_ =	shalt  }
.Lfunc_end2:
_tile_overlayer_lowered:
.L_overlay_start_2:
0x8d: {  	(tag) =	ssettag $0x2  }
0x8e: {  	s0 =	rddreg [dreg:$0x0];
	s2 =	stileid.u32  }
0x8f: {  	s1 =	rddreg [dreg:$0x1];
	p0 =	sne.s32 s2, $0x0  }
0x90: {  	s3 =	rddreg [dreg:$0x2];
	[bflag:$0x3] =	sbarrier.arrive $0xFFFF;
	s2 =	simm.s32 @!p0 $0x1C03  }
0x91: {  	[timem:s3], [sflag:s2] =	dma.local @!p0 [hbm:s0], s1  }
0x92: {  	s0 =	simm.s32 @!p0 $0x3  }
0x93: {  	_ =	swait.ge @!p0 [sflag:s0], s1  }
0x94: {  	s1 =	ssub.s32 @!p0 $0x0, s1;
	[sflag:s0] =	ssyncset.done @!p0 $0x0  }
0x95: {  	[sflag:s0] =	ssyncadd.s32 @!p0 s1  }
0x96: {  	[bflag:$0x3] =	sbarrier.arrive $0xFFFF  }
0x97: {  	_ =	shalt  }

// kernel: kernel.9.cloned.1.call-start
scs
__scs_entry_jumppad:
0x0: {  	(pc) =	sbr.rel $0x88, $3  }
0x1: {  	(tag) =	ssettag $0x0;
	lr =	simm.s32 $0x1  }
0x2: {  	[smem:$0x3F9A] =	sst lr;
	_ =	strace $0xD0000000  }
0x3: {  	_ = 	snop  }
0x4: {  	_ = 	snop  }
0x5: {  	_ = 	snop  }
0x6: {  	_ = 	snop  }
0x7: {  	_ = 	snop  }
__scs_overlays_trampoline_lowered:
0x8: {  	[smem:$0x3FA9] =	sst s0  }
0x9: {  	[smem:$0x3FAA] =	sst s1  }
0xa: {  	[smem:$0x3FAB] =	sst s2  }
0xb: {  	[smem:$0x3FAC] =	sst s3  }
0xc: {  	[smem:$0x3FAD] =	sst s4  }
0xd: {  	[smem:$0x3FAE] =	sst s5  }
0xe: {  	[smem:$0x3FAF] =	sst s6  }
0xf: {  	[smem:$0x3FB0] =	sst s7  }
0x10: {  	[smem:$0x3FB1] =	sst s8  }
0x11: {  	[smem:$0x3FB2] =	sst s9;
	s0 =	simm.s32 @!p0 $0x0  }
0x12: {  	s1 =	sld [smem:$0x3F98];
	s0 =	simm.s32 @p0 $0x1  }
0x13: {  	[smem:$0x3FB3] =	sst s0;
	s0 =	simm.s32 @!p1 $0x0  }
0x14: {  	s2 =	sld [smem:$0x3F97];
	s0 =	simm.s32 @p1 $0x1  }
0x15: {  	[smem:$0x3FB4] =	sst s0;
	s0 =	simm.s32 @!p2 $0x0  }
0x16: {  	s3 =	sld [smem:$0x3FDB];
	s0 =	simm.s32 @p2 $0x1  }
0x17: {  	s4 =	simm.s32 $0x1BF5;
	[smem:$0x3FB6] =	sst s0  }
0x18: {  	s0 =	sld [smem:$0x3F99];
	_ =	swait.ge [sflag:s4], $0x0  }
0x19: {  	s7 =	sld [smem:$0x3F9A]  }
0x1a: {  	s8 =	sadd.s32 $0xFFFFE003, lr  }
0x1b: {  	s9 =	sadd.s32 $0xFFFFFEF7, lr;
	s5 =	simm.s32 $0xFFFFFFFF;
	p2 =	slt.u32 s8, $0xFFFFF086  }
0x1c: {  	p1 =	slt.u32 s9, $0xF7A;
	s5 =	simm.s32 @!p2 $0x0  }
0x1d: {  	s5 =	simm.s32 @p1 $0x1;
	p0 =	seq.s32 s7, s2  }
0x1e: {  	s7 =	smul.u32 @!p0 $0xF7A, s2;
	p2 =	seq.s32 @!p0 s5, $0x0  }
0x1f: {  	s9 =	smul.u32 $0xF7A, s1;
	s8 =	simm.s32 @!p0 $0x1BF5;
	p2 =	por !p2, p0  }
0x20: {  	[sflag:s8] =	ssyncset.s32 @!p0 $0xFFFFF086;
	s6 =	sadd.s32 @!p0 s3, s7;
	s7 =	simm.s32 @!p0 $0x108  }
0x21: {  	s3 =	sadd.s32 s3, s9;
	s6 =	sadd.s32 @!p0 $0x88, s6;
	s7 =	simm.s32 @p2 $0x1082  }
0x22: {  	[simem:s7], [sflag:s8] =	dma.local @!p0 [hbm:s6], $0xF7A  }
0x23: {  	s9 =	sor.u32 $0xD0000000, s2;
	s6 =	simm.s32 $0x108;
	_ =	swait.ge @!p0 [sflag:s8], $0x0  }
0x24: {  	s3 =	sadd.s32 $0x88, s3;
	s6 =	simm.s32 @!p1 $0x1082;
	[sflag:s4] =	ssyncset.s32 $0xFFFFF086  }
0x25: {  	[simem:s6], [sflag:s4] =	dma.local [hbm:s3], $0xF7A  }
0x26: {  	[smem:$0x3F9A] =	sst s1;
	(tag) =	ssettag s2;
	_ =	strace s9  }
0x27: {  	s1 =	sld [smem:$0x3FAA]  }
0x28: {  	s2 =	sld [smem:$0x3FAB]  }
0x29: {  	s4 =	sld [smem:$0x3FAD]  }
0x2a: {  	p0 =	seq.s32 s5, $0x0;
	s5 =	sld [smem:$0x3FAE]  }
0x2b: {  	s6 =	sld [smem:$0x3FAF]  }
0x2c: {  	s7 =	sld [smem:$0x3FB0]  }
0x2d: {  	s3 =	simm.s32 $0x108;
	s8 =	sld [smem:$0x3FB1]  }
0x2e: {  	s3 =	simm.s32 @!p0 $0x1082;
	s9 =	sld [smem:$0x3FB2]  }
0x2f: {  	lr =	sadd.s32 s0, s3;
	s0 =	sld [smem:$0x3FA9]  }
0x30: {  	s3 =	sld [smem:$0x3FAC]  }
0x31: {  	[smem:$0x3FB5] =	sst s10  }
0x32: {  	s10 =	sld [smem:$0x3FB3];
	_ =	sdelay $0x3  }
0x33: {  	p0 =	seq.s32 s10, $0x1;
	s10 =	sld [smem:$0x3FB5];
	_ =	sdelay $0x3  }
0x34: {  	[smem:$0x3FB5] =	sst s10  }
0x35: {  	s10 =	sld [smem:$0x3FB4];
	_ =	sdelay $0x3  }
0x36: {  	p1 =	seq.s32 s10, $0x1;
	s10 =	sld [smem:$0x3FB5];
	_ =	sdelay $0x3  }
0x37: {  	[smem:$0x3FB5] =	sst s10  }
0x38: {  	s10 =	sld [smem:$0x3FB6]  }
0x39: {  	_ = 	snop;
	(pc) =	sbr.ind lr, $3  }
0x3a: {  	_ = 	snop  }
0x3b: {  	_ = 	snop  }
0x3c: {  	p2 =	seq.s32 s10, $0x1;
	s10 =	sld [smem:$0x3FB5]  }
0x3d: {  	_ =	shalt  }
0x3e: {  	_ =	shalt  }
0x3f: {  	_ =	shalt  }
0x40: {  	_ =	shalt  }
0x41: {  	_ =	shalt  }
0x42: {  	_ =	shalt  }
0x43: {  	_ =	shalt  }
0x44: {  	_ =	shalt  }
0x45: {  	_ =	shalt  }
0x46: {  	_ =	shalt  }
0x47: {  	_ =	shalt  }
0x48: {  	_ =	shalt  }
0x49: {  	_ =	shalt  }
0x4a: {  	_ =	shalt  }
0x4b: {  	_ =	shalt  }
0x4c: {  	_ =	shalt  }
0x4d: {  	_ =	shalt  }
0x4e: {  	_ =	shalt  }
0x4f: {  	_ =	shalt  }
0x50: {  	_ =	shalt  }
0x51: {  	_ =	shalt  }
0x52: {  	_ =	shalt  }
0x53: {  	_ =	shalt  }
0x54: {  	_ =	shalt  }
0x55: {  	_ =	shalt  }
0x56: {  	_ =	shalt  }
0x57: {  	_ =	shalt  }
0x58: {  	_ =	shalt  }
0x59: {  	_ =	shalt  }
0x5a: {  	_ =	shalt  }
0x5b: {  	_ =	shalt  }
0x5c: {  	_ =	shalt  }
0x5d: {  	_ =	shalt  }
0x5e: {  	_ =	shalt  }
0x5f: {  	_ =	shalt  }
0x60: {  	_ =	shalt  }
0x61: {  	_ =	shalt  }
0x62: {  	_ =	shalt  }
0x63: {  	_ =	shalt  }
0x64: {  	_ =	shalt  }
0x65: {  	_ =	shalt  }
0x66: {  	_ =	shalt  }
0x67: {  	_ =	shalt  }
0x68: {  	_ =	shalt  }
0x69: {  	_ =	shalt  }
0x6a: {  	_ =	shalt  }
0x6b: {  	_ =	shalt  }
0x6c: {  	_ =	shalt  }
0x6d: {  	_ =	shalt  }
0x6e: {  	_ =	shalt  }
0x6f: {  	_ =	shalt  }
0x70: {  	_ =	shalt  }
0x71: {  	_ =	shalt  }
0x72: {  	_ =	shalt  }
0x73: {  	_ =	shalt  }
0x74: {  	_ =	shalt  }
0x75: {  	_ =	shalt  }
0x76: {  	_ =	shalt  }
0x77: {  	_ =	shalt  }
0x78: {  	_ =	shalt  }
0x79: {  	_ =	shalt  }
0x7a: {  	_ =	shalt  }
0x7b: {  	_ =	shalt  }
0x7c: {  	_ =	shalt  }
0x7d: {  	_ =	shalt  }
0x7e: {  	_ =	shalt  }
0x7f: {  	_ =	shalt  }
0x80: {  	_ =	shalt  }
0x81: {  	_ =	shalt  }
0x82: {  	_ =	shalt  }
0x83: {  	_ =	shalt  }
0x84: {  	_ =	shalt  }
0x85: {  	_ =	shalt  }
0x86: {  	_ =	shalt  }
0x87: {  	_ =	shalt  }
.Lfunc_end0:
.L_simem_size_0:
called_computation.1_lowered:
.L_overlay_start_0:
0x88: {  	s2 =	sld [smem:$0x3FD9]  }
0x89: {  	s3 =	sld [smem:$0x3FFE];
	_ =	sdelay $0x1  }
0x8a: {  	s1 =	srdreg.scid  }
0x8b: {  	s0 =	sand.u32 $0x1, s1  }
0x8c: {  	s17 =	sshll.u32 s0, $0xA;
	s2 =	sadd.s32 s3, s2  }
0x8d: {  	s2 =	sadd.s32 s2, s17  }
0x8e: {  	[smem:$0x3FC1] =	sst s2  }
0x8f: {  	_ = 	snop  }
0x90: {  	s2 =	sld [smem:$0x3FD0];
	(tm) =	ssettm $0x1  }
0x91: {  	s18 =	sld [smem:$0x3FFB];
	_ =	sdelay $0x3  }
0x92: {  	_ =	strace s18  }
0x93: {  	s3 =	sld [smem:$0x3FFC];
	_ =	sdelay $0x3  }
0x94: {  	_ =	strace s3  }
0x95: {  	s3 =	sld [smem:$0x3FFD];
	_ =	sdelay $0x3  }
0x96: {  	_ =	strace s3  }
0x97: {  	_ =	strace $0x8FFFFFFF  }
0x98: {  	s19 =	sld [smem:$0x3FDB];
	_ =	sdelay $0x1  }
0x99: {  	s4 =	simm.s32 $_scs_section_size  }
0x9a: {  	s5 =	simm.s32 $_size__tile_overlayer_lowered;
	s6 =	simm.s32 $_tile_overlayer_lowered  }
0x9b: {  	s22 =	simm.s32 $0x1BFF;
	s21 =	sshll.u32 s6, $0x1;
	s3 =	sadd.s32 s4, s19  }
0x9c: {  	s7 =	simm.s32 $0x0;
	s20 =	sshll.u32 s5, $0x1;
	s5 =	sadd.s32 s21, s3  }
0x9d: {  	[timem:s7], [sflag:s22] =	dma.local [hbm:s5], s20  }
0x9e: {  	_ =	swait.ge [sflag:s22], s20  }
0x9f: {  	s4 =	ssub.s32 $0x0, s20;
	[sflag:s22] =	ssyncset.done $0x0  }
0xa0: {  	[sflag:s22] =	ssyncadd.s32 s4;
	_ =	sdelay $0x1  }
0xa1: {  	s23 =	simm.s32 $0x1B8B  }
0xa2: {  	_ =	swait.ge [sflag:s23], $0x1  }
0xa3: {  	[sflag:s23] =	ssyncset.done $0x0  }
0xa4: {  	s25 =	simm.s32 $0x1B8E;
	s24 =	sld [smem:$0x3FFE];
	[sflag:s23] =	ssyncadd.s32 $0xFFFFFFFF  }
0xa5: {  	s26 =	simm.s32 $execute0_lowered;
	[smem:$0x3FD2] =	sst s25  }
0xa6: {  	s5 =	sshll.u32 s26, $0x1;
	_ =	strace $0x80000049;
	[dreg:$0x1] =	wrdreg $0xFFFFFFFF  }
0xa7: {  	s28 =	simm.s32 $_size_execute0_lowered;
	s3 =	sadd.s32 s3, s5;
	[dreg:$0x0] =	wrdreg $0x0  }
0xa8: {  	s5 =	sshll.u32 s28, $0x1;
	[dreg:$0x2] =	wrdreg s3  }
0xa9: {  	[dreg:$0x3] =	wrdreg s5  }
0xaa: {  	[dreg:$0x4] =	wrdreg $0xC0  }
0xab: {  	_ =	task [dreg:s7], $0x5FFFF  }
0xac: {  	[dreg:$0x1] =	wrdreg $0xFFFFFFFF  }
0xad: {  	[dreg:$0x0] =	wrdreg $0x60  }
0xae: {  	[dreg:$0x2] =	wrdreg s24  }
0xaf: {  	[dreg:$0x3] =	wrdreg s2  }
0xb0: {  	[dreg:$0x4] =	wrdreg $0x9  }
0xb1: {  	_ =	task.clear_ibuf [dreg:s7], $0x5FFFF;
	_ =	strace $0x90000049  }
0xb2: {  	s29 =	simm.s32 $0x9;
	_ =	strace $0x8000004B  }
0xb3: {  	_ =	swait.ge [sflag:s29], $0x1  }
0xb4: {  	[sflag:s29] =	ssyncadd.s32 $0xFFFFFFFF  }
0xb5: {  	_ =	strace $0x9000004B  }
0xb6: {  	_ =	sfence  }
0xb7: {  	s30 =	sld [smem:$0x0];
	_ =	sdelay $0x2  }
0xb8: {  	s31 =	sshll.u32 s1, $0xD;
	s1 =	sshrl.u32 s1, $0x2  }
0xb9: {  	s3 =	sand.u32 $0x4000, s31;
	s1 =	sadd.s32 s1, s30  }
0xba: {  	s0 =	sor.u32 s3, s0;
	s1 =	sshll.u32 s1, $0x11  }
0xbb: {  	s0 =	sor.u32 s1, s0  }
0xbc: {  	s0 =	sadd.s32 $0x8F2B, s0  }
0xbd: {  	[sflag:s0] =	ssyncadd.remote.s32 $0x1  }
0xbe: {  	_ =	sfence.sel $0xFFFF  }
0xbf: {  	[dreg:$0x0] =	wrdreg $0xFFFFFFFF;
	(pc) =	sbr.abs _section_cstart, $3  }
0xc0: {  	[dreg:$0x1] =	wrdreg $0xFFFFFFFF  }
0xc1: {  	_ =	task.clear_ibuf [dreg:s7], $0x2FFFF;
	_ =	strace $0x9FFFFFFF  }
0xc2: {  	(tm) =	ssettm $0x7FFFFFFF  }
0xc3: {  	_ =	shalt  }
tec
execute0_lowered:
.L_overlay_start_1:
0x0: {  	(tag) =	ssettag $0x1  }
0x1: {  	s1 =	srdreg.scid;
	s6 =	rddreg [dreg:$0x0]  }
0x2: {  	s0 =	stileid.u32;
	s5 =	rddreg [dreg:$0x1]  }
0x3: {  	s2 =	simm.s32 $0x0;
	s24 =	simm.s32 $0x880;
	s25 =	simm.s32 $0x1080  }
0x4: {  	s26 =	simm.s32 $0x1880;
	s11 =	simm.s32 $0x2880;
	s12 =	simm.s32 $0x3080  }
0x5: {  	s13 =	simm.s32 $0x3880;
	s14 =	simm.s32 $0x4080;
	s15 =	simm.s32 $0x4880  }
0x6: {  	s16 =	simm.s32 $0x5080;
	s17 =	simm.s32 $0x5880;
	s18 =	simm.s32 $0x6080  }
0x7: {  	s19 =	simm.s32 $0x6880;
	s20 =	simm.s32 $0x7080;
	s28 =	simm.s32 $0xA880  }
0x8: {  	s29 =	simm.s32 $0xB080;
	s30 =	simm.s32 $0xB880;
	[smem:$0x7FF] =	sst s2  }
0x9: {  	s31 =	simm.s32 $0x1;
	_ =	strace $0x8000004A;
	[dreg:$0x7] =	wrdreg s24  }
0xa: {  	s1 =	sand.u32 $0x1, s1;
	s3 =	sshll.u32 s0, $0x4;
	[dreg:$0x8] =	wrdreg s25  }
0xb: {  	s4 =	sshll.u32 s1, $0x3;
	s1 =	ssub.s32 $0x2, s1;
	[dreg:$0x9] =	wrdreg s26  }
0xc: {  	s24 =	simm.s32 $0x9080;
	s25 =	simm.s32 $0x9880;
	s4 =	sor.u32 s4, s3  }
0xd: {  	s26 =	simm.s32 $0xA080;
	s3 =	sadd.s32 $0x1C00, s6;
	s7 =	smul.u32 $0x300, s4  }
0xe: {  	s9 =	sshrl.u32 s1, $0x1;
	s8 =	smul.u32 $0x1800, s4;
	s4 =	sadd.s32 s4, s6  }
0xf: {  	s1 =	ssub.s32 s1, s9;
	s9 =	simm.s32 $0x80;
	s10 =	sadd.s32 $0x1A00, s4  }
0x10: {  	s4 =	sadd.s32 s5, s7;
	s21 =	sshrl.u32 s8, $0x3;
	[dreg:$0x3] =	wrdreg s10  }
0x11: {  	s8 =	simm.s32 $0x3;
	s22 =	sadd.s32 $0x600, s4;
	s7 =	sadd.s32 s5, s21  }
0x12: {  	s5 =	sadd.s32 $0x1D00, s6;
	[dreg:$0x4] =	wrdreg s22;
	s23 =	sadd.s32 $0xC00, s7  }
0x13: {  	v2 =	vlaneseq.u32;
	s6 =	sadd.s32 $0x1E00, s6;
	s7 =	sadd.s32 $0x1200, s7;
	[dreg:$0x5] =	wrdreg s23  }
0x14: {  	vm0 =	vmmov $0xffff;
	v1 =	vshrl.u32 v2, $0x3;
	s21 =	simm.s32 $0x7880;
	s22 =	simm.s32 $0x8080;
	[dreg:$0x6] =	wrdreg s7  }
0x15: {  	v0 =	vand.u32 $0x7, v2;
	v2 =	vor.u32 $0x8, v2;
	v1 =	vmul.u32 $0x8, v1;
	s7 =	smax.u32 s1, $0x1;
	s23 =	simm.s32 $0x8880;
	s1 =	simm.s32 $0x2  }
.LBB2_1:
0x16: {  	s0 =	rddreg [dreg:$0x3]  }
0x17: {  	[tilespmem:s2], [sflag:$0x3] =	stream.linear.gather [hbm4b:s0+s2], $0x40, $0x38;
	[tilespmem:$0xC080] =	vst v63  }
0x18: {  	_ =	swait.ge [sflag:s8], $0x40  }
0x19: {  	[sflag:s8] =	ssyncset.done $0x0  }
0x1a: {  	[sflag:s8] =	ssyncadd.s32 $0xFFFFFFC0  }
0x1b: {  	v3 =	vld [tilespmem:$0x0];
	_ =	sdelay $0x4  }
0x1c: {  	v4 =	vshrl.u32 v3, $0x3  }
0x1d: {  	v4 =	vmul.u32 $0x30, v4  }
0x1e: {  	v3 =	vand.u32 $0x7, v3  }
0x1f: {  	v3 =	vor.u32 v3, v4  }
0x20: {  	v4 =	vperm.xlane v3, v0;
	_ =	sdelay $0x1  }
0x21: {  	v4 =	vadd.s32 v1, v4;
	_ =	sdelay $0x3  }
0x22: {  	v3 =	vperm.xlane v3, v2  }
0x23: {  	[tilespmem:s9], [sflag:$0x1] =	stream.indirect_vreg.gather [hbm4b:s3+s2], $0x80, v4, vm0, $0xb8;
	[tilespmem:$0xC080] =	vst v63  }
0x24: {  	s0 =	rddreg [dreg:$0x7];
	v3 =	vadd.s32 v1, v3  }
0x25: {  	[tilespmem:s0], [sflag:$0x1] =	stream.indirect_vreg.gather [hbm4b:s5+s2], $0x80, v4, vm0, $0xb8;
	[tilespmem:$0xC080] =	vst v63  }
0x26: {  	s10 =	rddreg [dreg:$0x8]  }
0x27: {  	[tilespmem:s10], [sflag:$0x1] =	stream.indirect_vreg.gather [hbm4b:s6+s2], $0x80, v4, vm0, $0xb8;
	[tilespmem:$0xC080] =	vst v63  }
0x28: {  	s0 =	rddreg [dreg:$0x9]  }
0x29: {  	[tilespmem:s0], [sflag:$0x1] =	stream.indirect_vreg.gather [hbm4b:s3+s2], $0x80, v3, vm0, $0xb8;
	[tilespmem:$0xC080] =	vst v63  }
0x2a: {  	s10 =	simm.s32 $0x2080  }
0x2b: {  	[tilespmem:s10], [sflag:$0x1] =	stream.indirect_vreg.gather [hbm4b:s5+s2], $0x80, v3, vm0, $0xb8;
	[tilespmem:$0xC080] =	vst v63  }
0x2c: {  	_ = 	snop  }
0x2d: {  	[tilespmem:s11], [sflag:$0x1] =	stream.indirect_vreg.gather [hbm4b:s6+s2], $0x80, v3, vm0, $0xb8;
	[tilespmem:$0xC080] =	vst v63  }
0x2e: {  	v3 =	vld [tilespmem:$0x10];
	_ =	sdelay $0x4  }
0x2f: {  	v61 =	vshrl.u32 v3, $0x3  }
0x30: {  	v4 =	vmul.u32 $0x30, v61  }
0x31: {  	v3 =	vand.u32 $0x7, v3  }
0x32: {  	v3 =	vor.u32 v3, v4  }
0x33: {  	v4 =	vperm.xlane v3, v0;
	_ =	sdelay $0x1  }
0x34: {  	v4 =	vadd.s32 v1, v4;
	_ =	sdelay $0x3  }
0x35: {  	v3 =	vperm.xlane v3, v2  }
0x36: {  	[tilespmem:s12], [sflag:$0x1] =	stream.indirect_vreg.gather [hbm4b:s3+s2], $0x80, v4, vm0, $0xb8;
	[tilespmem:$0xC080] =	vst v63  }
0x37: {  	v3 =	vadd.s32 v1, v3  }
0x38: {  	[tilespmem:s13], [sflag:$0x1] =	stream.indirect_vreg.gather [hbm4b:s5+s2], $0x80, v4, vm0, $0xb8;
	[tilespmem:$0xC080] =	vst v63  }
0x39: {  	_ = 	snop  }
0x3a: {  	[tilespmem:s14], [sflag:$0x1] =	stream.indirect_vreg.gather [hbm4b:s6+s2], $0x80, v4, vm0, $0xb8;
	[tilespmem:$0xC080] =	vst v63  }
0x3b: {  	_ = 	snop  }
0x3c: {  	[tilespmem:s15], [sflag:$0x1] =	stream.indirect_vreg.gather [hbm4b:s3+s2], $0x80, v3, vm0, $0xb8;
	[tilespmem:$0xC080] =	vst v63  }
0x3d: {  	_ = 	snop  }
0x3e: {  	[tilespmem:s16], [sflag:$0x1] =	stream.indirect_vreg.gather [hbm4b:s5+s2], $0x80, v3, vm0, $0xb8;
	[tilespmem:$0xC080] =	vst v63  }
0x3f: {  	_ = 	snop  }
0x40: {  	[tilespmem:s17], [sflag:$0x1] =	stream.indirect_vreg.gather [hbm4b:s6+s2], $0x80, v3, vm0, $0xb8;
	[tilespmem:$0xC080] =	vst v63  }
0x41: {  	v3 =	vld [tilespmem:$0x20];
	_ =	sdelay $0x4  }
0x42: {  	v62 =	vshrl.u32 v3, $0x3  }
0x43: {  	v4 =	vmul.u32 $0x30, v62  }
0x44: {  	v3 =	vand.u32 $0x7, v3  }
0x45: {  	v3 =	vor.u32 v3, v4  }
0x46: {  	v4 =	vperm.xlane v3, v0;
	_ =	sdelay $0x1  }
0x47: {  	v4 =	vadd.s32 v1, v4;
	_ =	sdelay $0x3  }
0x48: {  	v3 =	vperm.xlane v3, v2  }
0x49: {  	[tilespmem:s18], [sflag:$0x1] =	stream.indirect_vreg.gather [hbm4b:s3+s2], $0x80, v4, vm0, $0xb8;
	[tilespmem:$0xC080] =	vst v63  }
0x4a: {  	v3 =	vadd.s32 v1, v3  }
0x4b: {  	[tilespmem:s19], [sflag:$0x1] =	stream.indirect_vreg.gather [hbm4b:s5+s2], $0x80, v4, vm0, $0xb8;
	[tilespmem:$0xC080] =	vst v63  }
0x4c: {  	_ = 	snop  }
0x4d: {  	[tilespmem:s20], [sflag:$0x1] =	stream.indirect_vreg.gather [hbm4b:s6+s2], $0x80, v4, vm0, $0xb8;
	[tilespmem:$0xC080] =	vst v63  }
0x4e: {  	_ = 	snop  }
0x4f: {  	[tilespmem:s21], [sflag:$0x1] =	stream.indirect_vreg.gather [hbm4b:s3+s2], $0x80, v3, vm0, $0xb8;
	[tilespmem:$0xC080] =	vst v63  }
0x50: {  	_ = 	snop  }
0x51: {  	[tilespmem:s22], [sflag:$0x1] =	stream.indirect_vreg.gather [hbm4b:s5+s2], $0x80, v3, vm0, $0xb8;
	[tilespmem:$0xC080] =	vst v63  }
0x52: {  	_ = 	snop  }
0x53: {  	[tilespmem:s23], [sflag:$0x1] =	stream.indirect_vreg.gather [hbm4b:s6+s2], $0x80, v3, vm0, $0xb8;
	[tilespmem:$0xC080] =	vst v63  }
0x54: {  	v3 =	vld [tilespmem:$0x30];
	_ =	sdelay $0x4  }
0x55: {  	v63 =	vshrl.u32 v3, $0x3  }
0x56: {  	v4 =	vmul.u32 $0x30, v63  }
0x57: {  	v3 =	vand.u32 $0x7, v3  }
0x58: {  	v3 =	vor.u32 v3, v4  }
0x59: {  	v4 =	vperm.xlane v3, v0;
	_ =	sdelay $0x1  }
0x5a: {  	v4 =	vadd.s32 v1, v4;
	_ =	sdelay $0x3  }
0x5b: {  	v3 =	vperm.xlane v3, v2  }
0x5c: {  	[tilespmem:s24], [sflag:$0x1] =	stream.indirect_vreg.gather [hbm4b:s3+s2], $0x80, v4, vm0, $0xb8;
	[tilespmem:$0xC080] =	vst v63  }
0x5d: {  	v3 =	vadd.s32 v1, v3  }
0x5e: {  	[tilespmem:s25], [sflag:$0x1] =	stream.indirect_vreg.gather [hbm4b:s5+s2], $0x80, v4, vm0, $0xb8;
	[tilespmem:$0xC080] =	vst v63  }
0x5f: {  	_ = 	snop  }
0x60: {  	[tilespmem:s26], [sflag:$0x1] =	stream.indirect_vreg.gather [hbm4b:s6+s2], $0x80, v4, vm0, $0xb8;
	[tilespmem:$0xC080] =	vst v63  }
0x61: {  	_ = 	snop  }
0x62: {  	[tilespmem:s28], [sflag:$0x1] =	stream.indirect_vreg.gather [hbm4b:s3+s2], $0x80, v3, vm0, $0xb8;
	[tilespmem:$0xC080] =	vst v63  }
0x63: {  	_ = 	snop  }
0x64: {  	[tilespmem:s29], [sflag:$0x1] =	stream.indirect_vreg.gather [hbm4b:s5+s2], $0x80, v3, vm0, $0xb8;
	[tilespmem:$0xC080] =	vst v63  }
0x65: {  	_ = 	snop  }
0x66: {  	[tilespmem:s30], [sflag:$0x1] =	stream.indirect_vreg.gather [hbm4b:s6+s2], $0x80, v3, vm0, $0xb8;
	[tilespmem:$0xC080] =	vst v63  }
0x67: {  	_ =	swait.ge [sflag:s31], $0x3000  }
0x68: {  	[sflag:s31] =	ssyncset.done $0x0  }
0x69: {  	[sflag:s31] =	ssyncadd.s32 $0xFFFFD000  }
0x6a: {  	[hbm4b:s4+s2] =	stream.linear.scatter [tilespmem:s9], [sflag:$0x2], $0x3000, $0x38;
	[tilespmem:$0xC080] =	vst v63  }
0x6b: {  	_ =	swait.ge [sflag:s31], $0x3000  }
0x6c: {  	[sflag:s31] =	ssyncset.done $0x0  }
0x6d: {  	s10 =	rddreg [dreg:$0x4];
	[sflag:s31] =	ssyncadd.s32 $0xFFFFD000  }
0x6e: {  	[hbm4b:s10+s2] =	stream.linear.scatter [tilespmem:s12], [sflag:$0x2], $0x3000, $0x38;
	[tilespmem:$0xC080] =	vst v63  }
0x6f: {  	_ =	swait.ge [sflag:s31], $0x3000  }
0x70: {  	[sflag:s31] =	ssyncset.done $0x0  }
0x71: {  	s10 =	rddreg [dreg:$0x5];
	[sflag:s31] =	ssyncadd.s32 $0xFFFFD000  }
0x72: {  	[hbm4b:s10+s2] =	stream.linear.scatter [tilespmem:s18], [sflag:$0x2], $0x3000, $0x38;
	[tilespmem:$0xC080] =	vst v63  }
0x73: {  	_ =	swait.ge [sflag:s31], $0x3000  }
0x74: {  	[sflag:s31] =	ssyncset.done $0x0  }
0x75: {  	s10 =	rddreg [dreg:$0x6];
	[sflag:s31] =	ssyncadd.s32 $0xFFFFD000  }
0x76: {  	[hbm4b:s10+s2] =	stream.linear.scatter [tilespmem:s24], [sflag:$0x2], $0x3000, $0x38;
	[tilespmem:$0xC080] =	vst v63  }
0x77: {  	_ =	swait.ge [sflag:s1], $0x3000  }
0x78: {  	[sflag:s1] =	ssyncset.done $0x0  }
0x79: {  	[sflag:s1] =	ssyncadd.s32 $0xFFFFD000  }
0x7a: {  	_ =	swait.ge [sflag:s1], $0x3000  }
0x7b: {  	[sflag:s1] =	ssyncset.done $0x0  }
0x7c: {  	[sflag:s1] =	ssyncadd.s32 $0xFFFFD000  }
0x7d: {  	p0 =	sne.s32 s7, $0x1;
	_ =	swait.ge [sflag:s1], $0x3000  }
.Ltmp0:
0x7e: {  	[sflag:s1] =	ssyncset.done $0x0;
	(pc) =	sbr.rel @p0 .LBB2_1-.Ltmp0, $4  }
0x7f: {  	[sflag:s1] =	ssyncadd.s32 $0xFFFFD000  }
0x80: {  	_ =	swait.ge [sflag:s1], $0x3000  }
0x81: {  	[sflag:s1] =	ssyncset.done $0x0  }
0x82: {  	s7 =	sadd.s32 $0xFFFFFFFF, s7;
	[sflag:s1] =	ssyncadd.s32 $0xFFFFD000  }
0x83: {  	_ =	sfence.sel $0x180000  }
0x84: {  	[bflag:$0x0] =	sbarrier.arrive $0xFFFF  }
0x85: {  	_ =	strace $0x9000004A  }
0x86: {  	s0 =	stileid.u32;
	[bflag:$0x2] =	sbarrier.arrive $0xFFFF  }
0x87: {  	p0 =	sne.s32 s0, $0x0;
	s0 =	rddreg [dreg:$0x2]  }
0x88: {  	s0 =	sadd.s32 @!p0 $0x100000, s0  }
0x89: {  	[sflag:s0] =	ssyncadd.tile.s32 @!p0 $0x1;
	_ =	shalt  }
.Lfunc_end2:
_tile_overlayer_lowered:
.L_overlay_start_2:
0x8a: {  	(tag) =	ssettag $0x2  }
0x8b: {  	s0 =	rddreg [dreg:$0x0];
	s2 =	stileid.u32  }
0x8c: {  	s1 =	rddreg [dreg:$0x1];
	p0 =	sne.s32 s2, $0x0  }
0x8d: {  	s3 =	rddreg [dreg:$0x2];
	[bflag:$0x3] =	sbarrier.arrive $0xFFFF;
	s2 =	simm.s32 @!p0 $0x1C03  }
0x8e: {  	[timem:s3], [sflag:s2] =	dma.local @!p0 [hbm:s0], s1  }
0x8f: {  	s0 =	simm.s32 @!p0 $0x3  }
0x90: {  	_ =	swait.ge @!p0 [sflag:s0], s1  }
0x91: {  	s1 =	ssub.s32 @!p0 $0x0, s1;
	[sflag:s0] =	ssyncset.done @!p0 $0x0  }
0x92: {  	[sflag:s0] =	ssyncadd.s32 @!p0 s1  }
0x93: {  	[bflag:$0x3] =	sbarrier.arrive $0xFFFF  }
0x94: {  	_ =	shalt  }

</sc_bundles>
